<compile_context>
chip_gen: v7x
topology: tpu7x:2x2x1
jax: 0.10.2.dev20260603
libtpu: 0.0.44.dev20260713+nightly
codegen_flags: <defaults>
</compile_context>

<pallas_src>
import functools

import jax
import jax.numpy as jnp
from jax import lax
from jax.experimental import pallas as pl
from jax.experimental.pallas import tpu as pltpu
from jax.experimental.pallas import tpu_sc as plsc



_G = 64


_CA = 40


def _assign_body(x_ref, cb_ref, idx_ref, xout_ref, cba_ref, xba_ref):
    g, c, w = x_ref.shape
    k = cb_ref.shape[0]
    blk = g * w

    @pl.when(pl.program_id(0) == 0)
    def _prep():
        cb = cb_ref[...]
        c_sq = jnp.sum(cb * cb, axis=1, keepdims=True)
        hi = c_sq.astype(jnp.bfloat16).astype(jnp.float32)
        mid = (c_sq - hi).astype(jnp.bfloat16).astype(jnp.float32)
        lo = (c_sq - hi - mid).astype(jnp.bfloat16).astype(jnp.float32)
        cba_ref[:, 0:c] = -2.0 * cb
        cba_ref[:, c:c + 1] = hi
        cba_ref[:, c + 1:c + 2] = mid
        cba_ref[:, c + 2:c + 3] = lo
        cba_ref[:, c + 3:] = jnp.zeros((k, _CA - c - 3), jnp.float32)
        xba_ref[c:c + 3, :] = jnp.ones((3, blk), jnp.float32)
        xba_ref[c + 3:, :] = jnp.zeros((_CA - c - 3, blk), jnp.float32)

    xb3 = x_ref[...]
    xout_ref[...] = xb3
    xba_ref[0:c, :] = xb3.transpose(1, 0, 2).reshape(c, blk)
    scores = lax.dot_general(
        cba_ref[...], xba_ref[...], (((1,), (0,)), ((), ())),
        preferred_element_type=jnp.float32)
    idx = jnp.argmin(scores, axis=0).astype(jnp.int32)
    idx_ref[0, 0, :] = idx


def _assign(x3, codebook):
    gh, c, w = x3.shape
    n = gh * w
    k = codebook.shape[0]
    nb = gh // _G
    blk = _G * w
    idx3, xout3 = pl.pallas_call(
        _assign_body,
        grid=(nb,),
        in_specs=[
            pl.BlockSpec((_G, c, w), lambda i: (i, 0, 0)),
            pl.BlockSpec((k, c), lambda i: (0, 0)),
        ],
        out_specs=[
            pl.BlockSpec((1, 1, blk), lambda i: (i, 0, 0)),
            pl.BlockSpec((_G, c, w), lambda i: (i, 0, 0)),
        ],
        out_shape=[
            jax.ShapeDtypeStruct((nb, 1, blk), jnp.int32),
            jax.ShapeDtypeStruct((gh, c, w), jnp.float32),
        ],
        scratch_shapes=[
            pltpu.VMEM((k, _CA), jnp.float32),
            pltpu.VMEM((_CA, blk), jnp.float32),
        ],
    )(x3, codebook)
    return idx3.reshape(n), xout3



@functools.lru_cache(maxsize=None)
def _make_gather(k_, c_, gh, w_):
    info = plsc.get_sparse_core_info()
    nc, ns, nl = info.num_cores, info.num_subcores, info.num_lanes
    nw = nc * ns
    assert gh % nw == 0 and w_ % nl == 0
    rows_per_tile = gh // nw
    toks_per_tile = rows_per_tile * w_
    groups_per_row = w_ // nl
    mesh = plsc.VectorSubcoreMesh(core_axis_name="c", subcore_axis_name="s")

    @functools.partial(
        pl.kernel,
        mesh=mesh,
        out_type=jax.ShapeDtypeStruct((gh * c_ * w_,), jnp.float32),
        scratch_types=[
            pltpu.VMEM((k_ * c_,), jnp.float32),
            pltpu.VMEM((toks_per_tile,), jnp.int32),
            pltpu.VMEM((toks_per_tile * c_,), jnp.float32),
        ],
        compiler_params=pltpu.CompilerParams(
            use_tc_tiling_on_sc=False, needs_layout_passes=False),
    )
    def gather(table_hbm, idx_hbm, out_hbm, cb_v, idx_v, out_v):
        wid = lax.axis_index("s") * nc + lax.axis_index("c")
        base_tok = wid * toks_per_tile
        pltpu.sync_copy(table_hbm, cb_v)
        pltpu.sync_copy(idx_hbm.at[pl.ds(base_tok, toks_per_tile)], idx_v)

        n_groups = rows_per_tile * groups_per_row

        @plsc.parallel_loop(0, n_groups, unroll=2)
        def _grp(g):
            bh = g // groups_per_row
            wg = g % groups_per_row
            tok0 = pl.multiple_of(bh * w_ + wg * nl, nl)
            obase = pl.multiple_of(bh * (c_ * w_) + wg * nl, nl)
            iv = idx_v[pl.ds(tok0, nl)]
            addr = iv * c_
            for cc in range(c_):
                vals = plsc.load_gather(cb_v, [addr + cc])
                out_v[pl.ds(obase + cc * w_, nl)] = vals
        pltpu.sync_copy(
            out_v, out_hbm.at[pl.ds(base_tok * c_, toks_per_tile * c_)])

    return gather




def kernel(x, codebook):
    b, h, w, c = x.shape
    n = b * h * w
    x3 = jnp.transpose(x, (0, 1, 3, 2)).reshape(b * h, c, w)
    idx, xout3 = _assign(x3, codebook)
    y_flat = _make_gather(codebook.shape[0], c, b * h, w)(
        codebook.reshape(-1), idx)
    y = jnp.transpose(y_flat.reshape(b, h, c, w), (0, 1, 3, 2))
    xout = jnp.transpose(xout3.reshape(b, h, c, w), (0, 1, 3, 2))
    return (xout, y)

# --- scband reference (transcript-rebuilt; emitter-appended) ---
"""Pipeline reference for scband-clustering-layer-13786845020239 (READ-ONLY COPY).

The authoritative reference and input builder live on the scoring server;
editing this copy changes nothing except your own understanding.
"""

import jax, jax.numpy as jnp
import numpy as np


def setup_inputs(seed: int = 0) -> dict:
    key = jax.random.key(seed)
    k1, k2 = jax.random.split(key)
    x = jax.random.normal(k1, (2, 224, 224, 32), dtype=jnp.float32)
    codebook = jax.random.normal(k2, (512, 32), dtype=jnp.float32)
    return {"x": x, "codebook": codebook}


def reference(x, codebook):
    # Faithful translation of ClusteringLayer.call:
    #   flatten spatial dims -> kmeans.predict (nearest centroid by L2) ->
    #   gather cluster_centers_ -> reshape back. Returns [x, y].
    B, H, W, C = x.shape
    flat = x.reshape(B * H * W, C)
    # squared euclidean distance to each centroid (what sklearn KMeans.predict minimizes)
    x_sq = jnp.sum(flat * flat, axis=1, keepdims=True)          # [N, 1]
    c_sq = jnp.sum(codebook * codebook, axis=1)                  # [K]
    d2 = x_sq - 2.0 * (flat @ codebook.T) + c_sq[None, :]        # [N, K]
    idx = jnp.argmin(d2, axis=1)                                 # [N]
    flat_y = jnp.take(codebook, idx, axis=0)                     # gather centroids
    y = flat_y.reshape(B, H, W, C)
    return (x, y)

if __name__ == "__main__":
    import jax
    _d = setup_inputs()
    print(jax.jit(kernel)(*tuple(_d.values())))

</pallas_src>

<mosaic_0001>
#map = affine_map<(d0, d1) -> (0)>
module attributes {stable_mosaic.version = 14 : i64} {
  func.func @gather(%arg0: i32, %arg1: i32, %arg2: memref<16384xf32, #tpu.memory_space<hbm>>, %arg3: memref<100352xi32, #tpu.memory_space<hbm>>, %arg4: memref<3211264xf32, #tpu.memory_space<hbm>>, %arg5: memref<16384xf32, #tpu.memory_space<vmem>>, %arg6: memref<3136xi32, #tpu.memory_space<vmem>>, %arg7: memref<100352xf32, #tpu.memory_space<vmem>>) attributes {dimension_semantics = [#tpu.dimension_semantics<core_parallel>, #tpu.dimension_semantics<subcore_parallel>], iteration_bounds = array<i64: 2, 16>, scalar_prefetch = 0 : i64, scratch_operands = 3 : i64, tpu.core_type = #tpu.core_type<sc_vector_subcore>, window_params = [{transform_indices = #map}, {transform_indices = #map}, {transform_indices = #map}]} {
    %mul3A = arith.constant 2 : i32
    %mul3A_0 = arith.muli %arg1, %mul3A : i32
    %add3A = arith.addi %mul3A_0, %arg0 : i32
    %mul3A_1 = arith.constant 3136 : i32
    %mul3A_2 = arith.muli %add3A, %mul3A_1 : i32
    "tpu.region"() ({
      %run_scoped3A = tpu.sem_alloc : memref<!tpu.dma_semaphore, #tpu.memory_space<semaphore_mem>>
      tpu.enqueue_dma source(%arg2 : memref<16384xf32, #tpu.memory_space<hbm>>) target(%arg5 : memref<16384xf32, #tpu.memory_space<vmem>>) target_semaphore(%run_scoped3A : memref<!tpu.dma_semaphore, #tpu.memory_space<semaphore_mem>>)
      tpu.wait_dma2 semaphore(%run_scoped3A : memref<!tpu.dma_semaphore, #tpu.memory_space<semaphore_mem>>) src(%arg2 : memref<16384xf32, #tpu.memory_space<hbm>>) dst(%arg5 : memref<16384xf32, #tpu.memory_space<vmem>>)
      tpu.yield
    }) : () -> ()
    "tpu.region"() ({
      %run_scoped3A = tpu.sem_alloc : memref<!tpu.dma_semaphore, #tpu.memory_space<semaphore_mem>>
      %dma_start3A = tpu.memref_slice %arg3[%mul3A_2] : memref<100352xi32, #tpu.memory_space<hbm>> -> memref<3136xi32, #tpu.memory_space<hbm>>
      %dma_start3A_7 = tpu.memref_slice %arg3[%mul3A_2] : memref<100352xi32, #tpu.memory_space<hbm>> -> memref<3136xi32, #tpu.memory_space<hbm>>
      tpu.enqueue_dma source(%dma_start3A_7 : memref<3136xi32, #tpu.memory_space<hbm>>) target(%arg6 : memref<3136xi32, #tpu.memory_space<vmem>>) target_semaphore(%run_scoped3A : memref<!tpu.dma_semaphore, #tpu.memory_space<semaphore_mem>>)
      %dma_wait3A = tpu.memref_slice %arg3[%mul3A_2] : memref<100352xi32, #tpu.memory_space<hbm>> -> memref<3136xi32, #tpu.memory_space<hbm>>
      %dma_wait3A_8 = tpu.memref_slice %arg3[%mul3A_2] : memref<100352xi32, #tpu.memory_space<hbm>> -> memref<3136xi32, #tpu.memory_space<hbm>>
      tpu.wait_dma2 semaphore(%run_scoped3A : memref<!tpu.dma_semaphore, #tpu.memory_space<semaphore_mem>>) src(%dma_wait3A_8 : memref<3136xi32, #tpu.memory_space<hbm>>) dst(%arg6 : memref<3136xi32, #tpu.memory_space<vmem>>)
      tpu.yield
    }) : () -> ()
    %parallel_loop3A = arith.constant 0 : i32
    %parallel_loop3A_3 = arith.constant 196 : i32
    %parallel_loop3A_4 = arith.constant 1 : i32
    scf.for %parallel_loop3A_7 = %parallel_loop3A to %parallel_loop3A_3 step %parallel_loop3A_4  : i32 {
      %parallel_loop3A_8 = arith.constant 14 : i32
      %parallel_loop3A_9 = arith.divsi %parallel_loop3A_7, %parallel_loop3A_8 : i32
      %parallel_loop3A_10 = arith.constant 0 : i32
      %parallel_loop3A_11 = arith.cmpi sgt, %parallel_loop3A_7, %parallel_loop3A_10 : i32
      %parallel_loop3A_12 = arith.extui %parallel_loop3A_11 : i1 to i32
      %parallel_loop3A_13 = arith.constant 0 : i32
      %parallel_loop3A_14 = arith.cmpi slt, %parallel_loop3A_7, %parallel_loop3A_13 : i32
      %parallel_loop3A_15 = arith.extui %parallel_loop3A_14 : i1 to i32
      %parallel_loop3A_16 = arith.subi %parallel_loop3A_12, %parallel_loop3A_15 : i32
      %parallel_loop3A_17 = arith.constant 0 : i32
      %parallel_loop3A_18 = arith.cmpi sgt, %parallel_loop3A_8, %parallel_loop3A_17 : i32
      %parallel_loop3A_19 = arith.extui %parallel_loop3A_18 : i1 to i32
      %parallel_loop3A_20 = arith.constant 0 : i32
      %parallel_loop3A_21 = arith.cmpi slt, %parallel_loop3A_8, %parallel_loop3A_20 : i32
      %parallel_loop3A_22 = arith.extui %parallel_loop3A_21 : i1 to i32
      %parallel_loop3A_23 = arith.subi %parallel_loop3A_19, %parallel_loop3A_22 : i32
      %parallel_loop3A_24 = arith.cmpi ne, %parallel_loop3A_16, %parallel_loop3A_23 : i32
      %parallel_loop3A_25 = arith.remsi %parallel_loop3A_7, %parallel_loop3A_8 : i32
      %parallel_loop3A_26 = arith.constant 0 : i32
      %parallel_loop3A_27 = arith.cmpi ne, %parallel_loop3A_25, %parallel_loop3A_26 : i32
      %parallel_loop3A_28 = arith.andi %parallel_loop3A_24, %parallel_loop3A_27 : i1
      %parallel_loop3A_29 = arith.constant 1 : i32
      %parallel_loop3A_30 = arith.subi %parallel_loop3A_9, %parallel_loop3A_29 : i32
      %parallel_loop3A_31 = arith.select %parallel_loop3A_28, %parallel_loop3A_30, %parallel_loop3A_9 : i32
      %parallel_loop3A_32 = arith.constant 14 : i32
      %parallel_loop3A_33 = arith.constant 0 : i32
      %parallel_loop3A_34 = arith.cmpi eq, %parallel_loop3A_32, %parallel_loop3A_33 : i32
      %parallel_loop3A_35 = arith.constant 1 : i32
      %parallel_loop3A_36 = arith.select %parallel_loop3A_34, %parallel_loop3A_35, %parallel_loop3A_32 : i32
      %parallel_loop3A_37 = arith.remsi %parallel_loop3A_7, %parallel_loop3A_36 : i32
      %parallel_loop3A_38 = arith.constant 0 : i32
      %parallel_loop3A_39 = arith.cmpi ne, %parallel_loop3A_37, %parallel_loop3A_38 : i32
      %parallel_loop3A_40 = arith.constant 0 : i32
      %parallel_loop3A_41 = arith.cmpi slt, %parallel_loop3A_37, %parallel_loop3A_40 : i32
      %parallel_loop3A_42 = arith.constant 0 : i32
      %parallel_loop3A_43 = arith.cmpi slt, %parallel_loop3A_36, %parallel_loop3A_42 : i32
      %parallel_loop3A_44 = arith.xori %parallel_loop3A_41, %parallel_loop3A_43 : i1
      %parallel_loop3A_45 = arith.andi %parallel_loop3A_44, %parallel_loop3A_39 : i1
      %parallel_loop3A_46 = arith.addi %parallel_loop3A_37, %parallel_loop3A_36 : i32
      %parallel_loop3A_47 = arith.select %parallel_loop3A_45, %parallel_loop3A_46, %parallel_loop3A_37 : i32
      %parallel_loop3A_48 = arith.constant 224 : i32
      %parallel_loop3A_49 = arith.muli %parallel_loop3A_31, %parallel_loop3A_48 : i32
      %parallel_loop3A_50 = arith.constant 16 : i32
      %parallel_loop3A_51 = arith.muli %parallel_loop3A_47, %parallel_loop3A_50 : i32
      %parallel_loop3A_52 = arith.addi %parallel_loop3A_49, %parallel_loop3A_51 : i32
      %parallel_loop3A_53 = tpu.assume_multiple %parallel_loop3A_52, 16 : i32
      %parallel_loop3A_54 = arith.constant 7168 : i32
      %parallel_loop3A_55 = arith.muli %parallel_loop3A_31, %parallel_loop3A_54 : i32
      %parallel_loop3A_56 = arith.constant 16 : i32
      %parallel_loop3A_57 = arith.muli %parallel_loop3A_47, %parallel_loop3A_56 : i32
      %parallel_loop3A_58 = arith.addi %parallel_loop3A_55, %parallel_loop3A_57 : i32
      %parallel_loop3A_59 = tpu.assume_multiple %parallel_loop3A_58, 16 : i32
      %parallel_loop3A_60 = arith.index_cast %parallel_loop3A_53 : i32 to index
      %parallel_loop3A_61 = tpu.vector_load %arg6[%parallel_loop3A_60] {strides = array<i32>} : memref<3136xi32, #tpu.memory_space<vmem>>, vector<16xi32>,
      %parallel_loop3A_62 = arith.constant 32 : i32
      %parallel_loop3A_63 = vector.broadcast %parallel_loop3A_62 : i32 to vector<16xi32>
      %parallel_loop3A_64 = arith.muli %parallel_loop3A_61, %parallel_loop3A_63 : vector<16xi32>
      %parallel_loop3A_65 = arith.constant 0 : i32
      %parallel_loop3A_66 = vector.broadcast %parallel_loop3A_65 : i32 to vector<16xi32>
      %parallel_loop3A_67 = arith.addi %parallel_loop3A_64, %parallel_loop3A_66 : vector<16xi32>
      %parallel_loop3A_68 = tpu.vector_load_idx %arg5[%parallel_loop3A_67] : memref<16384xf32, #tpu.memory_space<vmem>>[vector<16xi32>], vector<16xf32>,
      %parallel_loop3A_69 = arith.constant 0 : i32
      %parallel_loop3A_70 = arith.addi %parallel_loop3A_59, %parallel_loop3A_69 : i32
      %parallel_loop3A_71 = arith.index_cast %parallel_loop3A_70 : i32 to index
      %parallel_loop3A_72 = tpu.vector_load %arg7[%parallel_loop3A_71] {strides = array<i32>} : memref<100352xf32, #tpu.memory_space<vmem>>, vector<16xf32>,
      tpu.vector_store %arg7[%parallel_loop3A_71], %parallel_loop3A_68 {strides = array<i32>} : memref<100352xf32, #tpu.memory_space<vmem>>, vector<16xf32>,
      %parallel_loop3A_73 = arith.constant 1 : i32
      %parallel_loop3A_74 = vector.broadcast %parallel_loop3A_73 : i32 to vector<16xi32>
      %parallel_loop3A_75 = arith.addi %parallel_loop3A_64, %parallel_loop3A_74 : vector<16xi32>
      %parallel_loop3A_76 = tpu.vector_load_idx %arg5[%parallel_loop3A_75] : memref<16384xf32, #tpu.memory_space<vmem>>[vector<16xi32>], vector<16xf32>,
      %parallel_loop3A_77 = arith.constant 224 : i32
      %parallel_loop3A_78 = arith.addi %parallel_loop3A_59, %parallel_loop3A_77 : i32
      %parallel_loop3A_79 = arith.index_cast %parallel_loop3A_78 : i32 to index
      %parallel_loop3A_80 = tpu.vector_load %arg7[%parallel_loop3A_79] {strides = array<i32>} : memref<100352xf32, #tpu.memory_space<vmem>>, vector<16xf32>,
      tpu.vector_store %arg7[%parallel_loop3A_79], %parallel_loop3A_76 {strides = array<i32>} : memref<100352xf32, #tpu.memory_space<vmem>>, vector<16xf32>,
      %parallel_loop3A_81 = arith.constant 2 : i32
      %parallel_loop3A_82 = vector.broadcast %parallel_loop3A_81 : i32 to vector<16xi32>
      %parallel_loop3A_83 = arith.addi %parallel_loop3A_64, %parallel_loop3A_82 : vector<16xi32>
      %parallel_loop3A_84 = tpu.vector_load_idx %arg5[%parallel_loop3A_83] : memref<16384xf32, #tpu.memory_space<vmem>>[vector<16xi32>], vector<16xf32>,
      %parallel_loop3A_85 = arith.constant 448 : i32
      %parallel_loop3A_86 = arith.addi %parallel_loop3A_59, %parallel_loop3A_85 : i32
      %parallel_loop3A_87 = arith.index_cast %parallel_loop3A_86 : i32 to index
      %parallel_loop3A_88 = tpu.vector_load %arg7[%parallel_loop3A_87] {strides = array<i32>} : memref<100352xf32, #tpu.memory_space<vmem>>, vector<16xf32>,
      tpu.vector_store %arg7[%parallel_loop3A_87], %parallel_loop3A_84 {strides = array<i32>} : memref<100352xf32, #tpu.memory_space<vmem>>, vector<16xf32>,
      %parallel_loop3A_89 = arith.constant 3 : i32
      %parallel_loop3A_90 = vector.broadcast %parallel_loop3A_89 : i32 to vector<16xi32>
      %parallel_loop3A_91 = arith.addi %parallel_loop3A_64, %parallel_loop3A_90 : vector<16xi32>
      %parallel_loop3A_92 = tpu.vector_load_idx %arg5[%parallel_loop3A_91] : memref<16384xf32, #tpu.memory_space<vmem>>[vector<16xi32>], vector<16xf32>,
      %parallel_loop3A_93 = arith.constant 672 : i32
      %parallel_loop3A_94 = arith.addi %parallel_loop3A_59, %parallel_loop3A_93 : i32
      %parallel_loop3A_95 = arith.index_cast %parallel_loop3A_94 : i32 to index
      %parallel_loop3A_96 = tpu.vector_load %arg7[%parallel_loop3A_95] {strides = array<i32>} : memref<100352xf32, #tpu.memory_space<vmem>>, vector<16xf32>,
      tpu.vector_store %arg7[%parallel_loop3A_95], %parallel_loop3A_92 {strides = array<i32>} : memref<100352xf32, #tpu.memory_space<vmem>>, vector<16xf32>,
      %parallel_loop3A_97 = arith.constant 4 : i32
      %parallel_loop3A_98 = vector.broadcast %parallel_loop3A_97 : i32 to vector<16xi32>
      %parallel_loop3A_99 = arith.addi %parallel_loop3A_64, %parallel_loop3A_98 : vector<16xi32>
      %parallel_loop3A_100 = tpu.vector_load_idx %arg5[%parallel_loop3A_99] : memref<16384xf32, #tpu.memory_space<vmem>>[vector<16xi32>], vector<16xf32>,
      %parallel_loop3A_101 = arith.constant 896 : i32
      %parallel_loop3A_102 = arith.addi %parallel_loop3A_59, %parallel_loop3A_101 : i32
      %parallel_loop3A_103 = arith.index_cast %parallel_loop3A_102 : i32 to index
      %parallel_loop3A_104 = tpu.vector_load %arg7[%parallel_loop3A_103] {strides = array<i32>} : memref<100352xf32, #tpu.memory_space<vmem>>, vector<16xf32>,
      tpu.vector_store %arg7[%parallel_loop3A_103], %parallel_loop3A_100 {strides = array<i32>} : memref<100352xf32, #tpu.memory_space<vmem>>, vector<16xf32>,
      %parallel_loop3A_105 = arith.constant 5 : i32
      %parallel_loop3A_106 = vector.broadcast %parallel_loop3A_105 : i32 to vector<16xi32>
      %parallel_loop3A_107 = arith.addi %parallel_loop3A_64, %parallel_loop3A_106 : vector<16xi32>
      %parallel_loop3A_108 = tpu.vector_load_idx %arg5[%parallel_loop3A_107] : memref<16384xf32, #tpu.memory_space<vmem>>[vector<16xi32>], vector<16xf32>,
      %parallel_loop3A_109 = arith.constant 1120 : i32
      %parallel_loop3A_110 = arith.addi %parallel_loop3A_59, %parallel_loop3A_109 : i32
      %parallel_loop3A_111 = arith.index_cast %parallel_loop3A_110 : i32 to index
      %parallel_loop3A_112 = tpu.vector_load %arg7[%parallel_loop3A_111] {strides = array<i32>} : memref<100352xf32, #tpu.memory_space<vmem>>, vector<16xf32>,
      tpu.vector_store %arg7[%parallel_loop3A_111], %parallel_loop3A_108 {strides = array<i32>} : memref<100352xf32, #tpu.memory_space<vmem>>, vector<16xf32>,
      %parallel_loop3A_113 = arith.constant 6 : i32
      %parallel_loop3A_114 = vector.broadcast %parallel_loop3A_113 : i32 to vector<16xi32>
      %parallel_loop3A_115 = arith.addi %parallel_loop3A_64, %parallel_loop3A_114 : vector<16xi32>
      %parallel_loop3A_116 = tpu.vector_load_idx %arg5[%parallel_loop3A_115] : memref<16384xf32, #tpu.memory_space<vmem>>[vector<16xi32>], vector<16xf32>,
      %parallel_loop3A_117 = arith.constant 1344 : i32
      %parallel_loop3A_118 = arith.addi %parallel_loop3A_59, %parallel_loop3A_117 : i32
      %parallel_loop3A_119 = arith.index_cast %parallel_loop3A_118 : i32 to index
      %parallel_loop3A_120 = tpu.vector_load %arg7[%parallel_loop3A_119] {strides = array<i32>} : memref<100352xf32, #tpu.memory_space<vmem>>, vector<16xf32>,
      tpu.vector_store %arg7[%parallel_loop3A_119], %parallel_loop3A_116 {strides = array<i32>} : memref<100352xf32, #tpu.memory_space<vmem>>, vector<16xf32>,
      %parallel_loop3A_121 = arith.constant 7 : i32
      %parallel_loop3A_122 = vector.broadcast %parallel_loop3A_121 : i32 to vector<16xi32>
      %parallel_loop3A_123 = arith.addi %parallel_loop3A_64, %parallel_loop3A_122 : vector<16xi32>
      %parallel_loop3A_124 = tpu.vector_load_idx %arg5[%parallel_loop3A_123] : memref<16384xf32, #tpu.memory_space<vmem>>[vector<16xi32>], vector<16xf32>,
      %parallel_loop3A_125 = arith.constant 1568 : i32
      %parallel_loop3A_126 = arith.addi %parallel_loop3A_59, %parallel_loop3A_125 : i32
      %parallel_loop3A_127 = arith.index_cast %parallel_loop3A_126 : i32 to index
      %parallel_loop3A_128 = tpu.vector_load %arg7[%parallel_loop3A_127] {strides = array<i32>} : memref<100352xf32, #tpu.memory_space<vmem>>, vector<16xf32>,
      tpu.vector_store %arg7[%parallel_loop3A_127], %parallel_loop3A_124 {strides = array<i32>} : memref<100352xf32, #tpu.memory_space<vmem>>, vector<16xf32>,
      %parallel_loop3A_129 = arith.constant 8 : i32
      %parallel_loop3A_130 = vector.broadcast %parallel_loop3A_129 : i32 to vector<16xi32>
      %parallel_loop3A_131 = arith.addi %parallel_loop3A_64, %parallel_loop3A_130 : vector<16xi32>
      %parallel_loop3A_132 = tpu.vector_load_idx %arg5[%parallel_loop3A_131] : memref<16384xf32, #tpu.memory_space<vmem>>[vector<16xi32>], vector<16xf32>,
      %parallel_loop3A_133 = arith.constant 1792 : i32
      %parallel_loop3A_134 = arith.addi %parallel_loop3A_59, %parallel_loop3A_133 : i32
      %parallel_loop3A_135 = arith.index_cast %parallel_loop3A_134 : i32 to index
      %parallel_loop3A_136 = tpu.vector_load %arg7[%parallel_loop3A_135] {strides = array<i32>} : memref<100352xf32, #tpu.memory_space<vmem>>, vector<16xf32>,
      tpu.vector_store %arg7[%parallel_loop3A_135], %parallel_loop3A_132 {strides = array<i32>} : memref<100352xf32, #tpu.memory_space<vmem>>, vector<16xf32>,
      %parallel_loop3A_137 = arith.constant 9 : i32
      %parallel_loop3A_138 = vector.broadcast %parallel_loop3A_137 : i32 to vector<16xi32>
      %parallel_loop3A_139 = arith.addi %parallel_loop3A_64, %parallel_loop3A_138 : vector<16xi32>
      %parallel_loop3A_140 = tpu.vector_load_idx %arg5[%parallel_loop3A_139] : memref<16384xf32, #tpu.memory_space<vmem>>[vector<16xi32>], vector<16xf32>,
      %parallel_loop3A_141 = arith.constant 2016 : i32
      %parallel_loop3A_142 = arith.addi %parallel_loop3A_59, %parallel_loop3A_141 : i32
      %parallel_loop3A_143 = arith.index_cast %parallel_loop3A_142 : i32 to index
      %parallel_loop3A_144 = tpu.vector_load %arg7[%parallel_loop3A_143] {strides = array<i32>} : memref<100352xf32, #tpu.memory_space<vmem>>, vector<16xf32>,
      tpu.vector_store %arg7[%parallel_loop3A_143], %parallel_loop3A_140 {strides = array<i32>} : memref<100352xf32, #tpu.memory_space<vmem>>, vector<16xf32>,
      %parallel_loop3A_145 = arith.constant 10 : i32
      %parallel_loop3A_146 = vector.broadcast %parallel_loop3A_145 : i32 to vector<16xi32>
      %parallel_loop3A_147 = arith.addi %parallel_loop3A_64, %parallel_loop3A_146 : vector<16xi32>
      %parallel_loop3A_148 = tpu.vector_load_idx %arg5[%parallel_loop3A_147] : memref<16384xf32, #tpu.memory_space<vmem>>[vector<16xi32>], vector<16xf32>,
      %parallel_loop3A_149 = arith.constant 2240 : i32
      %parallel_loop3A_150 = arith.addi %parallel_loop3A_59, %parallel_loop3A_149 : i32
      %parallel_loop3A_151 = arith.index_cast %parallel_loop3A_150 : i32 to index
      %parallel_loop3A_152 = tpu.vector_load %arg7[%parallel_loop3A_151] {strides = array<i32>} : memref<100352xf32, #tpu.memory_space<vmem>>, vector<16xf32>,
      tpu.vector_store %arg7[%parallel_loop3A_151], %parallel_loop3A_148 {strides = array<i32>} : memref<100352xf32, #tpu.memory_space<vmem>>, vector<16xf32>,
      %parallel_loop3A_153 = arith.constant 11 : i32
      %parallel_loop3A_154 = vector.broadcast %parallel_loop3A_153 : i32 to vector<16xi32>
      %parallel_loop3A_155 = arith.addi %parallel_loop3A_64, %parallel_loop3A_154 : vector<16xi32>
      %parallel_loop3A_156 = tpu.vector_load_idx %arg5[%parallel_loop3A_155] : memref<16384xf32, #tpu.memory_space<vmem>>[vector<16xi32>], vector<16xf32>,
      %parallel_loop3A_157 = arith.constant 2464 : i32
      %parallel_loop3A_158 = arith.addi %parallel_loop3A_59, %parallel_loop3A_157 : i32
      %parallel_loop3A_159 = arith.index_cast %parallel_loop3A_158 : i32 to index
      %parallel_loop3A_160 = tpu.vector_load %arg7[%parallel_loop3A_159] {strides = array<i32>} : memref<100352xf32, #tpu.memory_space<vmem>>, vector<16xf32>,
      tpu.vector_store %arg7[%parallel_loop3A_159], %parallel_loop3A_156 {strides = array<i32>} : memref<100352xf32, #tpu.memory_space<vmem>>, vector<16xf32>,
      %parallel_loop3A_161 = arith.constant 12 : i32
      %parallel_loop3A_162 = vector.broadcast %parallel_loop3A_161 : i32 to vector<16xi32>
      %parallel_loop3A_163 = arith.addi %parallel_loop3A_64, %parallel_loop3A_162 : vector<16xi32>
      %parallel_loop3A_164 = tpu.vector_load_idx %arg5[%parallel_loop3A_163] : memref<16384xf32, #tpu.memory_space<vmem>>[vector<16xi32>], vector<16xf32>,
      %parallel_loop3A_165 = arith.constant 2688 : i32
      %parallel_loop3A_166 = arith.addi %parallel_loop3A_59, %parallel_loop3A_165 : i32
      %parallel_loop3A_167 = arith.index_cast %parallel_loop3A_166 : i32 to index
      %parallel_loop3A_168 = tpu.vector_load %arg7[%parallel_loop3A_167] {strides = array<i32>} : memref<100352xf32, #tpu.memory_space<vmem>>, vector<16xf32>,
      tpu.vector_store %arg7[%parallel_loop3A_167], %parallel_loop3A_164 {strides = array<i32>} : memref<100352xf32, #tpu.memory_space<vmem>>, vector<16xf32>,
      %parallel_loop3A_169 = arith.constant 13 : i32
      %parallel_loop3A_170 = vector.broadcast %parallel_loop3A_169 : i32 to vector<16xi32>
      %parallel_loop3A_171 = arith.addi %parallel_loop3A_64, %parallel_loop3A_170 : vector<16xi32>
      %parallel_loop3A_172 = tpu.vector_load_idx %arg5[%parallel_loop3A_171] : memref<16384xf32, #tpu.memory_space<vmem>>[vector<16xi32>], vector<16xf32>,
      %parallel_loop3A_173 = arith.constant 2912 : i32
      %parallel_loop3A_174 = arith.addi %parallel_loop3A_59, %parallel_loop3A_173 : i32
      %parallel_loop3A_175 = arith.index_cast %parallel_loop3A_174 : i32 to index
      %parallel_loop3A_176 = tpu.vector_load %arg7[%parallel_loop3A_175] {strides = array<i32>} : memref<100352xf32, #tpu.memory_space<vmem>>, vector<16xf32>,
      tpu.vector_store %arg7[%parallel_loop3A_175], %parallel_loop3A_172 {strides = array<i32>} : memref<100352xf32, #tpu.memory_space<vmem>>, vector<16xf32>,
      %parallel_loop3A_177 = arith.constant 14 : i32
      %parallel_loop3A_178 = vector.broadcast %parallel_loop3A_177 : i32 to vector<16xi32>
      %parallel_loop3A_179 = arith.addi %parallel_loop3A_64, %parallel_loop3A_178 : vector<16xi32>
      %parallel_loop3A_180 = tpu.vector_load_idx %arg5[%parallel_loop3A_179] : memref<16384xf32, #tpu.memory_space<vmem>>[vector<16xi32>], vector<16xf32>,
      %parallel_loop3A_181 = arith.constant 3136 : i32
      %parallel_loop3A_182 = arith.addi %parallel_loop3A_59, %parallel_loop3A_181 : i32
      %parallel_loop3A_183 = arith.index_cast %parallel_loop3A_182 : i32 to index
      %parallel_loop3A_184 = tpu.vector_load %arg7[%parallel_loop3A_183] {strides = array<i32>} : memref<100352xf32, #tpu.memory_space<vmem>>, vector<16xf32>,
      tpu.vector_store %arg7[%parallel_loop3A_183], %parallel_loop3A_180 {strides = array<i32>} : memref<100352xf32, #tpu.memory_space<vmem>>, vector<16xf32>,
      %parallel_loop3A_185 = arith.constant 15 : i32
      %parallel_loop3A_186 = vector.broadcast %parallel_loop3A_185 : i32 to vector<16xi32>
      %parallel_loop3A_187 = arith.addi %parallel_loop3A_64, %parallel_loop3A_186 : vector<16xi32>
      %parallel_loop3A_188 = tpu.vector_load_idx %arg5[%parallel_loop3A_187] : memref<16384xf32, #tpu.memory_space<vmem>>[vector<16xi32>], vector<16xf32>,
      %parallel_loop3A_189 = arith.constant 3360 : i32
      %parallel_loop3A_190 = arith.addi %parallel_loop3A_59, %parallel_loop3A_189 : i32
      %parallel_loop3A_191 = arith.index_cast %parallel_loop3A_190 : i32 to index
      %parallel_loop3A_192 = tpu.vector_load %arg7[%parallel_loop3A_191] {strides = array<i32>} : memref<100352xf32, #tpu.memory_space<vmem>>, vector<16xf32>,
      tpu.vector_store %arg7[%parallel_loop3A_191], %parallel_loop3A_188 {strides = array<i32>} : memref<100352xf32, #tpu.memory_space<vmem>>, vector<16xf32>,
      %parallel_loop3A_193 = arith.constant 16 : i32
      %parallel_loop3A_194 = vector.broadcast %parallel_loop3A_193 : i32 to vector<16xi32>
      %parallel_loop3A_195 = arith.addi %parallel_loop3A_64, %parallel_loop3A_194 : vector<16xi32>
      %parallel_loop3A_196 = tpu.vector_load_idx %arg5[%parallel_loop3A_195] : memref<16384xf32, #tpu.memory_space<vmem>>[vector<16xi32>], vector<16xf32>,
      %parallel_loop3A_197 = arith.constant 3584 : i32
      %parallel_loop3A_198 = arith.addi %parallel_loop3A_59, %parallel_loop3A_197 : i32
      %parallel_loop3A_199 = arith.index_cast %parallel_loop3A_198 : i32 to index
      %parallel_loop3A_200 = tpu.vector_load %arg7[%parallel_loop3A_199] {strides = array<i32>} : memref<100352xf32, #tpu.memory_space<vmem>>, vector<16xf32>,
      tpu.vector_store %arg7[%parallel_loop3A_199], %parallel_loop3A_196 {strides = array<i32>} : memref<100352xf32, #tpu.memory_space<vmem>>, vector<16xf32>,
      %parallel_loop3A_201 = arith.constant 17 : i32
      %parallel_loop3A_202 = vector.broadcast %parallel_loop3A_201 : i32 to vector<16xi32>
      %parallel_loop3A_203 = arith.addi %parallel_loop3A_64, %parallel_loop3A_202 : vector<16xi32>
      %parallel_loop3A_204 = tpu.vector_load_idx %arg5[%parallel_loop3A_203] : memref<16384xf32, #tpu.memory_space<vmem>>[vector<16xi32>], vector<16xf32>,
      %parallel_loop3A_205 = arith.constant 3808 : i32
      %parallel_loop3A_206 = arith.addi %parallel_loop3A_59, %parallel_loop3A_205 : i32
      %parallel_loop3A_207 = arith.index_cast %parallel_loop3A_206 : i32 to index
      %parallel_loop3A_208 = tpu.vector_load %arg7[%parallel_loop3A_207] {strides = array<i32>} : memref<100352xf32, #tpu.memory_space<vmem>>, vector<16xf32>,
      tpu.vector_store %arg7[%parallel_loop3A_207], %parallel_loop3A_204 {strides = array<i32>} : memref<100352xf32, #tpu.memory_space<vmem>>, vector<16xf32>,
      %parallel_loop3A_209 = arith.constant 18 : i32
      %parallel_loop3A_210 = vector.broadcast %parallel_loop3A_209 : i32 to vector<16xi32>
      %parallel_loop3A_211 = arith.addi %parallel_loop3A_64, %parallel_loop3A_210 : vector<16xi32>
      %parallel_loop3A_212 = tpu.vector_load_idx %arg5[%parallel_loop3A_211] : memref<16384xf32, #tpu.memory_space<vmem>>[vector<16xi32>], vector<16xf32>,
      %parallel_loop3A_213 = arith.constant 4032 : i32
      %parallel_loop3A_214 = arith.addi %parallel_loop3A_59, %parallel_loop3A_213 : i32
      %parallel_loop3A_215 = arith.index_cast %parallel_loop3A_214 : i32 to index
      %parallel_loop3A_216 = tpu.vector_load %arg7[%parallel_loop3A_215] {strides = array<i32>} : memref<100352xf32, #tpu.memory_space<vmem>>, vector<16xf32>,
      tpu.vector_store %arg7[%parallel_loop3A_215], %parallel_loop3A_212 {strides = array<i32>} : memref<100352xf32, #tpu.memory_space<vmem>>, vector<16xf32>,
      %parallel_loop3A_217 = arith.constant 19 : i32
      %parallel_loop3A_218 = vector.broadcast %parallel_loop3A_217 : i32 to vector<16xi32>
      %parallel_loop3A_219 = arith.addi %parallel_loop3A_64, %parallel_loop3A_218 : vector<16xi32>
      %parallel_loop3A_220 = tpu.vector_load_idx %arg5[%parallel_loop3A_219] : memref<16384xf32, #tpu.memory_space<vmem>>[vector<16xi32>], vector<16xf32>,
      %parallel_loop3A_221 = arith.constant 4256 : i32
      %parallel_loop3A_222 = arith.addi %parallel_loop3A_59, %parallel_loop3A_221 : i32
      %parallel_loop3A_223 = arith.index_cast %parallel_loop3A_222 : i32 to index
      %parallel_loop3A_224 = tpu.vector_load %arg7[%parallel_loop3A_223] {strides = array<i32>} : memref<100352xf32, #tpu.memory_space<vmem>>, vector<16xf32>,
      tpu.vector_store %arg7[%parallel_loop3A_223], %parallel_loop3A_220 {strides = array<i32>} : memref<100352xf32, #tpu.memory_space<vmem>>, vector<16xf32>,
      %parallel_loop3A_225 = arith.constant 20 : i32
      %parallel_loop3A_226 = vector.broadcast %parallel_loop3A_225 : i32 to vector<16xi32>
      %parallel_loop3A_227 = arith.addi %parallel_loop3A_64, %parallel_loop3A_226 : vector<16xi32>
      %parallel_loop3A_228 = tpu.vector_load_idx %arg5[%parallel_loop3A_227] : memref<16384xf32, #tpu.memory_space<vmem>>[vector<16xi32>], vector<16xf32>,
      %parallel_loop3A_229 = arith.constant 4480 : i32
      %parallel_loop3A_230 = arith.addi %parallel_loop3A_59, %parallel_loop3A_229 : i32
      %parallel_loop3A_231 = arith.index_cast %parallel_loop3A_230 : i32 to index
      %parallel_loop3A_232 = tpu.vector_load %arg7[%parallel_loop3A_231] {strides = array<i32>} : memref<100352xf32, #tpu.memory_space<vmem>>, vector<16xf32>,
      tpu.vector_store %arg7[%parallel_loop3A_231], %parallel_loop3A_228 {strides = array<i32>} : memref<100352xf32, #tpu.memory_space<vmem>>, vector<16xf32>,
      %parallel_loop3A_233 = arith.constant 21 : i32
      %parallel_loop3A_234 = vector.broadcast %parallel_loop3A_233 : i32 to vector<16xi32>
      %parallel_loop3A_235 = arith.addi %parallel_loop3A_64, %parallel_loop3A_234 : vector<16xi32>
      %parallel_loop3A_236 = tpu.vector_load_idx %arg5[%parallel_loop3A_235] : memref<16384xf32, #tpu.memory_space<vmem>>[vector<16xi32>], vector<16xf32>,
      %parallel_loop3A_237 = arith.constant 4704 : i32
      %parallel_loop3A_238 = arith.addi %parallel_loop3A_59, %parallel_loop3A_237 : i32
      %parallel_loop3A_239 = arith.index_cast %parallel_loop3A_238 : i32 to index
      %parallel_loop3A_240 = tpu.vector_load %arg7[%parallel_loop3A_239] {strides = array<i32>} : memref<100352xf32, #tpu.memory_space<vmem>>, vector<16xf32>,
      tpu.vector_store %arg7[%parallel_loop3A_239], %parallel_loop3A_236 {strides = array<i32>} : memref<100352xf32, #tpu.memory_space<vmem>>, vector<16xf32>,
      %parallel_loop3A_241 = arith.constant 22 : i32
      %parallel_loop3A_242 = vector.broadcast %parallel_loop3A_241 : i32 to vector<16xi32>
      %parallel_loop3A_243 = arith.addi %parallel_loop3A_64, %parallel_loop3A_242 : vector<16xi32>
      %parallel_loop3A_244 = tpu.vector_load_idx %arg5[%parallel_loop3A_243] : memref<16384xf32, #tpu.memory_space<vmem>>[vector<16xi32>], vector<16xf32>,
      %parallel_loop3A_245 = arith.constant 4928 : i32
      %parallel_loop3A_246 = arith.addi %parallel_loop3A_59, %parallel_loop3A_245 : i32
      %parallel_loop3A_247 = arith.index_cast %parallel_loop3A_246 : i32 to index
      %parallel_loop3A_248 = tpu.vector_load %arg7[%parallel_loop3A_247] {strides = array<i32>} : memref<100352xf32, #tpu.memory_space<vmem>>, vector<16xf32>,
      tpu.vector_store %arg7[%parallel_loop3A_247], %parallel_loop3A_244 {strides = array<i32>} : memref<100352xf32, #tpu.memory_space<vmem>>, vector<16xf32>,
      %parallel_loop3A_249 = arith.constant 23 : i32
      %parallel_loop3A_250 = vector.broadcast %parallel_loop3A_249 : i32 to vector<16xi32>
      %parallel_loop3A_251 = arith.addi %parallel_loop3A_64, %parallel_loop3A_250 : vector<16xi32>
      %parallel_loop3A_252 = tpu.vector_load_idx %arg5[%parallel_loop3A_251] : memref<16384xf32, #tpu.memory_space<vmem>>[vector<16xi32>], vector<16xf32>,
      %parallel_loop3A_253 = arith.constant 5152 : i32
      %parallel_loop3A_254 = arith.addi %parallel_loop3A_59, %parallel_loop3A_253 : i32
      %parallel_loop3A_255 = arith.index_cast %parallel_loop3A_254 : i32 to index
      %parallel_loop3A_256 = tpu.vector_load %arg7[%parallel_loop3A_255] {strides = array<i32>} : memref<100352xf32, #tpu.memory_space<vmem>>, vector<16xf32>,
      tpu.vector_store %arg7[%parallel_loop3A_255], %parallel_loop3A_252 {strides = array<i32>} : memref<100352xf32, #tpu.memory_space<vmem>>, vector<16xf32>,
      %parallel_loop3A_257 = arith.constant 24 : i32
      %parallel_loop3A_258 = vector.broadcast %parallel_loop3A_257 : i32 to vector<16xi32>
      %parallel_loop3A_259 = arith.addi %parallel_loop3A_64, %parallel_loop3A_258 : vector<16xi32>
      %parallel_loop3A_260 = tpu.vector_load_idx %arg5[%parallel_loop3A_259] : memref<16384xf32, #tpu.memory_space<vmem>>[vector<16xi32>], vector<16xf32>,
      %parallel_loop3A_261 = arith.constant 5376 : i32
      %parallel_loop3A_262 = arith.addi %parallel_loop3A_59, %parallel_loop3A_261 : i32
      %parallel_loop3A_263 = arith.index_cast %parallel_loop3A_262 : i32 to index
      %parallel_loop3A_264 = tpu.vector_load %arg7[%parallel_loop3A_263] {strides = array<i32>} : memref<100352xf32, #tpu.memory_space<vmem>>, vector<16xf32>,
      tpu.vector_store %arg7[%parallel_loop3A_263], %parallel_loop3A_260 {strides = array<i32>} : memref<100352xf32, #tpu.memory_space<vmem>>, vector<16xf32>,
      %parallel_loop3A_265 = arith.constant 25 : i32
      %parallel_loop3A_266 = vector.broadcast %parallel_loop3A_265 : i32 to vector<16xi32>
      %parallel_loop3A_267 = arith.addi %parallel_loop3A_64, %parallel_loop3A_266 : vector<16xi32>
      %parallel_loop3A_268 = tpu.vector_load_idx %arg5[%parallel_loop3A_267] : memref<16384xf32, #tpu.memory_space<vmem>>[vector<16xi32>], vector<16xf32>,
      %parallel_loop3A_269 = arith.constant 5600 : i32
      %parallel_loop3A_270 = arith.addi %parallel_loop3A_59, %parallel_loop3A_269 : i32
      %parallel_loop3A_271 = arith.index_cast %parallel_loop3A_270 : i32 to index
      %parallel_loop3A_272 = tpu.vector_load %arg7[%parallel_loop3A_271] {strides = array<i32>} : memref<100352xf32, #tpu.memory_space<vmem>>, vector<16xf32>,
      tpu.vector_store %arg7[%parallel_loop3A_271], %parallel_loop3A_268 {strides = array<i32>} : memref<100352xf32, #tpu.memory_space<vmem>>, vector<16xf32>,
      %parallel_loop3A_273 = arith.constant 26 : i32
      %parallel_loop3A_274 = vector.broadcast %parallel_loop3A_273 : i32 to vector<16xi32>
      %parallel_loop3A_275 = arith.addi %parallel_loop3A_64, %parallel_loop3A_274 : vector<16xi32>
      %parallel_loop3A_276 = tpu.vector_load_idx %arg5[%parallel_loop3A_275] : memref<16384xf32, #tpu.memory_space<vmem>>[vector<16xi32>], vector<16xf32>,
      %parallel_loop3A_277 = arith.constant 5824 : i32
      %parallel_loop3A_278 = arith.addi %parallel_loop3A_59, %parallel_loop3A_277 : i32
      %parallel_loop3A_279 = arith.index_cast %parallel_loop3A_278 : i32 to index
      %parallel_loop3A_280 = tpu.vector_load %arg7[%parallel_loop3A_279] {strides = array<i32>} : memref<100352xf32, #tpu.memory_space<vmem>>, vector<16xf32>,
      tpu.vector_store %arg7[%parallel_loop3A_279], %parallel_loop3A_276 {strides = array<i32>} : memref<100352xf32, #tpu.memory_space<vmem>>, vector<16xf32>,
      %parallel_loop3A_281 = arith.constant 27 : i32
      %parallel_loop3A_282 = vector.broadcast %parallel_loop3A_281 : i32 to vector<16xi32>
      %parallel_loop3A_283 = arith.addi %parallel_loop3A_64, %parallel_loop3A_282 : vector<16xi32>
      %parallel_loop3A_284 = tpu.vector_load_idx %arg5[%parallel_loop3A_283] : memref<16384xf32, #tpu.memory_space<vmem>>[vector<16xi32>], vector<16xf32>,
      %parallel_loop3A_285 = arith.constant 6048 : i32
      %parallel_loop3A_286 = arith.addi %parallel_loop3A_59, %parallel_loop3A_285 : i32
      %parallel_loop3A_287 = arith.index_cast %parallel_loop3A_286 : i32 to index
      %parallel_loop3A_288 = tpu.vector_load %arg7[%parallel_loop3A_287] {strides = array<i32>} : memref<100352xf32, #tpu.memory_space<vmem>>, vector<16xf32>,
      tpu.vector_store %arg7[%parallel_loop3A_287], %parallel_loop3A_284 {strides = array<i32>} : memref<100352xf32, #tpu.memory_space<vmem>>, vector<16xf32>,
      %parallel_loop3A_289 = arith.constant 28 : i32
      %parallel_loop3A_290 = vector.broadcast %parallel_loop3A_289 : i32 to vector<16xi32>
      %parallel_loop3A_291 = arith.addi %parallel_loop3A_64, %parallel_loop3A_290 : vector<16xi32>
      %parallel_loop3A_292 = tpu.vector_load_idx %arg5[%parallel_loop3A_291] : memref<16384xf32, #tpu.memory_space<vmem>>[vector<16xi32>], vector<16xf32>,
      %parallel_loop3A_293 = arith.constant 6272 : i32
      %parallel_loop3A_294 = arith.addi %parallel_loop3A_59, %parallel_loop3A_293 : i32
      %parallel_loop3A_295 = arith.index_cast %parallel_loop3A_294 : i32 to index
      %parallel_loop3A_296 = tpu.vector_load %arg7[%parallel_loop3A_295] {strides = array<i32>} : memref<100352xf32, #tpu.memory_space<vmem>>, vector<16xf32>,
      tpu.vector_store %arg7[%parallel_loop3A_295], %parallel_loop3A_292 {strides = array<i32>} : memref<100352xf32, #tpu.memory_space<vmem>>, vector<16xf32>,
      %parallel_loop3A_297 = arith.constant 29 : i32
      %parallel_loop3A_298 = vector.broadcast %parallel_loop3A_297 : i32 to vector<16xi32>
      %parallel_loop3A_299 = arith.addi %parallel_loop3A_64, %parallel_loop3A_298 : vector<16xi32>
      %parallel_loop3A_300 = tpu.vector_load_idx %arg5[%parallel_loop3A_299] : memref<16384xf32, #tpu.memory_space<vmem>>[vector<16xi32>], vector<16xf32>,
      %parallel_loop3A_301 = arith.constant 6496 : i32
      %parallel_loop3A_302 = arith.addi %parallel_loop3A_59, %parallel_loop3A_301 : i32
      %parallel_loop3A_303 = arith.index_cast %parallel_loop3A_302 : i32 to index
      %parallel_loop3A_304 = tpu.vector_load %arg7[%parallel_loop3A_303] {strides = array<i32>} : memref<100352xf32, #tpu.memory_space<vmem>>, vector<16xf32>,
      tpu.vector_store %arg7[%parallel_loop3A_303], %parallel_loop3A_300 {strides = array<i32>} : memref<100352xf32, #tpu.memory_space<vmem>>, vector<16xf32>,
      %parallel_loop3A_305 = arith.constant 30 : i32
      %parallel_loop3A_306 = vector.broadcast %parallel_loop3A_305 : i32 to vector<16xi32>
      %parallel_loop3A_307 = arith.addi %parallel_loop3A_64, %parallel_loop3A_306 : vector<16xi32>
      %parallel_loop3A_308 = tpu.vector_load_idx %arg5[%parallel_loop3A_307] : memref<16384xf32, #tpu.memory_space<vmem>>[vector<16xi32>], vector<16xf32>,
      %parallel_loop3A_309 = arith.constant 6720 : i32
      %parallel_loop3A_310 = arith.addi %parallel_loop3A_59, %parallel_loop3A_309 : i32
      %parallel_loop3A_311 = arith.index_cast %parallel_loop3A_310 : i32 to index
      %parallel_loop3A_312 = tpu.vector_load %arg7[%parallel_loop3A_311] {strides = array<i32>} : memref<100352xf32, #tpu.memory_space<vmem>>, vector<16xf32>,
      tpu.vector_store %arg7[%parallel_loop3A_311], %parallel_loop3A_308 {strides = array<i32>} : memref<100352xf32, #tpu.memory_space<vmem>>, vector<16xf32>,
      %parallel_loop3A_313 = arith.constant 31 : i32
      %parallel_loop3A_314 = vector.broadcast %parallel_loop3A_313 : i32 to vector<16xi32>
      %parallel_loop3A_315 = arith.addi %parallel_loop3A_64, %parallel_loop3A_314 : vector<16xi32>
      %parallel_loop3A_316 = tpu.vector_load_idx %arg5[%parallel_loop3A_315] : memref<16384xf32, #tpu.memory_space<vmem>>[vector<16xi32>], vector<16xf32>,
      %parallel_loop3A_317 = arith.constant 6944 : i32
      %parallel_loop3A_318 = arith.addi %parallel_loop3A_59, %parallel_loop3A_317 : i32
      %parallel_loop3A_319 = arith.index_cast %parallel_loop3A_318 : i32 to index
      %parallel_loop3A_320 = tpu.vector_load %arg7[%parallel_loop3A_319] {strides = array<i32>} : memref<100352xf32, #tpu.memory_space<vmem>>, vector<16xf32>,
      tpu.vector_store %arg7[%parallel_loop3A_319], %parallel_loop3A_316 {strides = array<i32>} : memref<100352xf32, #tpu.memory_space<vmem>>, vector<16xf32>,
    } {sc.loop_unroll_factor = 2 : i64, sc.parallel_access}
    %mul3A_5 = arith.constant 32 : i32
    %mul3A_6 = arith.muli %mul3A_2, %mul3A_5 : i32
    "tpu.region"() ({
      %run_scoped3A = tpu.sem_alloc : memref<!tpu.dma_semaphore, #tpu.memory_space<semaphore_mem>>
      %dma_start3A = tpu.memref_slice %arg4[%mul3A_6] : memref<3211264xf32, #tpu.memory_space<hbm>> -> memref<100352xf32, #tpu.memory_space<hbm>>
      %dma_start3A_7 = tpu.memref_slice %arg4[%mul3A_6] : memref<3211264xf32, #tpu.memory_space<hbm>> -> memref<100352xf32, #tpu.memory_space<hbm>>
      tpu.enqueue_dma source(%arg7 : memref<100352xf32, #tpu.memory_space<vmem>>) target(%dma_start3A_7 : memref<100352xf32, #tpu.memory_space<hbm>>) target_semaphore(%run_scoped3A : memref<!tpu.dma_semaphore, #tpu.memory_space<semaphore_mem>>)
      %dma_wait3A = tpu.memref_slice %arg4[%mul3A_6] : memref<3211264xf32, #tpu.memory_space<hbm>> -> memref<100352xf32, #tpu.memory_space<hbm>>
      %dma_wait3A_8 = tpu.memref_slice %arg4[%mul3A_6] : memref<3211264xf32, #tpu.memory_space<hbm>> -> memref<100352xf32, #tpu.memory_space<hbm>>
      tpu.wait_dma2 semaphore(%run_scoped3A : memref<!tpu.dma_semaphore, #tpu.memory_space<semaphore_mem>>) src(%arg7 : memref<100352xf32, #tpu.memory_space<vmem>>) dst(%dma_wait3A_8 : memref<100352xf32, #tpu.memory_space<hbm>>)
      tpu.yield
    }) : () -> ()
    return
  }
}

module attributes {stable_mosaic.version = 14 : i64} {
  func.func @_assign_body(%arg0: i32, %arg1: memref<64x32x224xf32, #tpu.memory_space<vmem>>, %arg2: memref<512x32xf32, #tpu.memory_space<vmem>>, %arg3: memref<1x1x14336xi32, #tpu.memory_space<vmem>>, %arg4: memref<64x32x224xf32, #tpu.memory_space<vmem>>, %arg5: memref<512x40xf32, #tpu.memory_space<vmem>>, %arg6: memref<40x14336xf32, #tpu.memory_space<vmem>>) attributes {dimension_semantics = [#tpu.dimension_semantics<arbitrary>], iteration_bounds = array<i64: 7>, scalar_prefetch = 0 : i64, scratch_operands = 2 : i64, tpu.core_type = #tpu.core_type<tc>, window_params = [{transform_indices = @transform_0, window_bounds = array<i64: 64, 32, 224>}, {pipeline_mode = #tpu.pipeline_mode<synchronous>, transform_indices = @transform_1, window_bounds = array<i64: 512, 32>}, {transform_indices = @transform_2, window_bounds = array<i64: 1, 1, 14336>}, {transform_indices = @transform_3, window_bounds = array<i64: 64, 32, 224>}]} {
    %eq3A = arith.constant 0 : i32
    %eq3A_0 = arith.cmpi eq, %arg0, %eq3A : i32
    %convert_element_type3A = arith.extui %eq3A_0 : i1 to i32
    %cond3A = arith.constant 0 : i32
    %cond3A_1 = arith.cmpi ne, %convert_element_type3A, %cond3A : i32
    scf.if %cond3A_1 {
      %get3A_24 = arith.constant 0 : index
      %get3A_25 = arith.constant 0 : index
      %get3A_26 = vector.load %arg2[%get3A_24, %get3A_25] : memref<512x32xf32, #tpu.memory_space<vmem>>, vector<512x32xf32>
      %mul3A = arith.mulf %get3A_26, %get3A_26 : vector<512x32xf32>
      %reduce_sum3A = arith.constant dense<0.000000e+00> : vector<512xf32>
      %reduce_sum3A_27 = vector.multi_reduction <add>, %mul3A, %reduce_sum3A [1] : vector<512x32xf32> to vector<512xf32>
      %broadcast_in_dim3A = vector.shape_cast %reduce_sum3A_27 : vector<512xf32> to vector<512x1xf32>
      %convert_element_type3A_28 = arith.truncf %broadcast_in_dim3A : vector<512x1xf32> to vector<512x1xbf16>
      %convert_element_type3A_29 = arith.extf %convert_element_type3A_28 : vector<512x1xbf16> to vector<512x1xf32>
      %sub3A = arith.subf %broadcast_in_dim3A, %convert_element_type3A_29 : vector<512x1xf32>
      %convert_element_type3A_30 = arith.truncf %sub3A : vector<512x1xf32> to vector<512x1xbf16>
      %convert_element_type3A_31 = arith.extf %convert_element_type3A_30 : vector<512x1xbf16> to vector<512x1xf32>
      %sub3A_32 = arith.subf %broadcast_in_dim3A, %convert_element_type3A_29 : vector<512x1xf32>
      %sub3A_33 = arith.subf %sub3A_32, %convert_element_type3A_31 : vector<512x1xf32>
      %convert_element_type3A_34 = arith.truncf %sub3A_33 : vector<512x1xf32> to vector<512x1xbf16>
      %convert_element_type3A_35 = arith.extf %convert_element_type3A_34 : vector<512x1xbf16> to vector<512x1xf32>
      %mul3A_36 = arith.constant -2.000000e+00 : f32
      %mul3A_37 = vector.broadcast %mul3A_36 : f32 to vector<512x32xf32>
      %mul3A_38 = arith.mulf %mul3A_37, %get3A_26 : vector<512x32xf32>
      %swap3A_39 = arith.constant 0 : index
      %swap3A_40 = arith.constant 0 : index
      %swap3A_41 = vector.load %arg5[%swap3A_39, %swap3A_40] : memref<512x40xf32, #tpu.memory_space<vmem>>, vector<512x32xf32>
      tpu.vector_store %arg5[%swap3A_39, %swap3A_40], %mul3A_38 {strides = array<i32>} : memref<512x40xf32, #tpu.memory_space<vmem>>, vector<512x32xf32>,
      %swap3A_42 = arith.constant 0 : index
      %swap3A_43 = arith.constant 32 : index
      %swap3A_44 = vector.load %arg5[%swap3A_42, %swap3A_43] : memref<512x40xf32, #tpu.memory_space<vmem>>, vector<512x1xf32>
      tpu.vector_store %arg5[%swap3A_42, %swap3A_43], %convert_element_type3A_29 {strides = array<i32>} : memref<512x40xf32, #tpu.memory_space<vmem>>, vector<512x1xf32>,
      %swap3A_45 = arith.constant 0 : index
      %swap3A_46 = arith.constant 33 : index
      %swap3A_47 = vector.load %arg5[%swap3A_45, %swap3A_46] : memref<512x40xf32, #tpu.memory_space<vmem>>, vector<512x1xf32>
      tpu.vector_store %arg5[%swap3A_45, %swap3A_46], %convert_element_type3A_31 {strides = array<i32>} : memref<512x40xf32, #tpu.memory_space<vmem>>, vector<512x1xf32>,
      %swap3A_48 = arith.constant 0 : index
      %swap3A_49 = arith.constant 34 : index
      %swap3A_50 = vector.load %arg5[%swap3A_48, %swap3A_49] : memref<512x40xf32, #tpu.memory_space<vmem>>, vector<512x1xf32>
      tpu.vector_store %arg5[%swap3A_48, %swap3A_49], %convert_element_type3A_35 {strides = array<i32>} : memref<512x40xf32, #tpu.memory_space<vmem>>, vector<512x1xf32>,
      %broadcast_in_dim3A_51 = arith.constant 0.000000e+00 : f32
      %broadcast_in_dim3A_52 = vector.broadcast %broadcast_in_dim3A_51 : f32 to vector<512x5xf32>
      %swap3A_53 = arith.constant 0 : index
      %swap3A_54 = arith.constant 35 : index
      %swap3A_55 = vector.load %arg5[%swap3A_53, %swap3A_54] : memref<512x40xf32, #tpu.memory_space<vmem>>, vector<512x5xf32>
      tpu.vector_store %arg5[%swap3A_53, %swap3A_54], %broadcast_in_dim3A_52 {strides = array<i32>} : memref<512x40xf32, #tpu.memory_space<vmem>>, vector<512x5xf32>,
      %broadcast_in_dim3A_56 = arith.constant 1.000000e+00 : f32
      %broadcast_in_dim3A_57 = vector.broadcast %broadcast_in_dim3A_56 : f32 to vector<3x14336xf32>
      %swap3A_58 = arith.constant 32 : index
      %swap3A_59 = arith.constant 0 : index
      %swap3A_60 = vector.load %arg6[%swap3A_58, %swap3A_59] : memref<40x14336xf32, #tpu.memory_space<vmem>>, vector<3x14336xf32>
      tpu.vector_store %arg6[%swap3A_58, %swap3A_59], %broadcast_in_dim3A_57 {strides = array<i32>} : memref<40x14336xf32, #tpu.memory_space<vmem>>, vector<3x14336xf32>,
      %broadcast_in_dim3A_61 = arith.constant 0.000000e+00 : f32
      %broadcast_in_dim3A_62 = vector.broadcast %broadcast_in_dim3A_61 : f32 to vector<5x14336xf32>
      %swap3A_63 = arith.constant 35 : index
      %swap3A_64 = arith.constant 0 : index
      %swap3A_65 = vector.load %arg6[%swap3A_63, %swap3A_64] : memref<40x14336xf32, #tpu.memory_space<vmem>>, vector<5x14336xf32>
      tpu.vector_store %arg6[%swap3A_63, %swap3A_64], %broadcast_in_dim3A_62 {strides = array<i32>} : memref<40x14336xf32, #tpu.memory_space<vmem>>, vector<5x14336xf32>,
    } else {
    }
    %get3A = arith.constant 0 : index
    %get3A_2 = arith.constant 0 : index
    %get3A_3 = arith.constant 0 : index
    %get3A_4 = vector.load %arg1[%get3A, %get3A_2, %get3A_3] : memref<64x32x224xf32, #tpu.memory_space<vmem>>, vector<64x32x224xf32>
    %swap3A = arith.constant 0 : index
    %swap3A_5 = arith.constant 0 : index
    %swap3A_6 = arith.constant 0 : index
    %swap3A_7 = vector.load %arg4[%swap3A, %swap3A_5, %swap3A_6] : memref<64x32x224xf32, #tpu.memory_space<vmem>>, vector<64x32x224xf32>
    tpu.vector_store %arg4[%swap3A, %swap3A_5, %swap3A_6], %get3A_4 {strides = array<i32>} : memref<64x32x224xf32, #tpu.memory_space<vmem>>, vector<64x32x224xf32>,
    %transpose3A = tpu.transpose %get3A_4, [1, 0, 2] : vector<64x32x224xf32> -> vector<32x64x224xf32>
    %reshape3A = vector.shape_cast %transpose3A : vector<32x64x224xf32> to vector<32x14336xf32>
    %swap3A_8 = arith.constant 0 : index
    %swap3A_9 = arith.constant 0 : index
    %swap3A_10 = vector.load %arg6[%swap3A_8, %swap3A_9] : memref<40x14336xf32, #tpu.memory_space<vmem>>, vector<32x14336xf32>
    tpu.vector_store %arg6[%swap3A_8, %swap3A_9], %reshape3A {strides = array<i32>} : memref<40x14336xf32, #tpu.memory_space<vmem>>, vector<32x14336xf32>,
    %get3A_11 = arith.constant 0 : index
    %get3A_12 = arith.constant 0 : index
    %get3A_13 = vector.load %arg5[%get3A_11, %get3A_12] : memref<512x40xf32, #tpu.memory_space<vmem>>, vector<512x40xf32>
    %get3A_14 = arith.constant 0 : index
    %get3A_15 = arith.constant 0 : index
    %get3A_16 = vector.load %arg6[%get3A_14, %get3A_15] : memref<40x14336xf32, #tpu.memory_space<vmem>>, vector<40x14336xf32>
    %dot_general3A = arith.constant dense<0.000000e+00> : vector<512x14336xf32>
    %dot_general3A_17 = tpu.matmul %get3A_13, %get3A_16, %dot_general3A {dimension_numbers = #tpu.dot_dimension_numbers<[1], [0], [0], [1], [0, 0, 1, 1], [], []>, transpose_lhs_hint = false} : vector<512x40xf32>, vector<40x14336xf32>, vector<512x14336xf32> -> vector<512x14336xf32>
    %argmin3A = tpu.reduce_index %dot_general3A_17 {axis = 0 : i32, kind = #tpu.reduction_kind<arg_min>} : vector<512x14336xf32> -> vector<14336xi32>
    %swap3A_18 = arith.constant 0 : index
    %swap3A_19 = arith.constant 0 : index
    %swap3A_20 = arith.constant 0 : index
    %swap3A_21 = vector.load %arg3[%swap3A_18, %swap3A_19, %swap3A_20] : memref<1x1x14336xi32, #tpu.memory_space<vmem>>, vector<1x1x14336xi32>
    %swap3A_22 = vector.shape_cast %swap3A_21 : vector<1x1x14336xi32> to vector<14336xi32>
    %swap3A_23 = vector.shape_cast %argmin3A : vector<14336xi32> to vector<1x1x14336xi32>
    tpu.vector_store %arg3[%swap3A_18, %swap3A_19, %swap3A_20], %swap3A_23 {strides = array<i32>} : memref<1x1x14336xi32, #tpu.memory_space<vmem>>, vector<1x1x14336xi32>,
    return
  }
  func.func @transform_0(%arg0: i32) -> (i32, i32, i32) {
    %c0_i32 = arith.constant 0 : i32
    %c0_i32_0 = arith.constant 0 : i32
    %c0_i32_1 = arith.constant 0 : i32
    return %arg0, %c0_i32, %c0_i32_0 : i32, i32, i32
  }
  func.func @transform_1(%arg0: i32) -> (i32, i32) {
    %c0_i32 = arith.constant 0 : i32
    %c0_i32_0 = arith.constant 0 : i32
    %c0_i32_1 = arith.constant 0 : i32
    return %c0_i32, %c0_i32_0 : i32, i32
  }
  func.func @transform_2(%arg0: i32) -> (i32, i32, i32) {
    %c0_i32 = arith.constant 0 : i32
    %c0_i32_0 = arith.constant 0 : i32
    %c0_i32_1 = arith.constant 0 : i32
    return %arg0, %c0_i32, %c0_i32_0 : i32, i32, i32
  }
  func.func @transform_3(%arg0: i32) -> (i32, i32, i32) {
    %c0_i32 = arith.constant 0 : i32
    %c0_i32_0 = arith.constant 0 : i32
    %c0_i32_1 = arith.constant 0 : i32
    return %arg0, %c0_i32, %c0_i32_0 : i32, i32, i32
  }
}

</mosaic_0001>

<sc_bundles>
// kernel: kernel.4.cloned.1.call-start
scs
__scs_entry_jumppad:
0x0: {  	(pc) =	sbr.rel $0x88, $3  }
0x1: {  	(tag) =	ssettag $0x0;
	lr =	simm.s32 $0x1  }
0x2: {  	[smem:$0x3F9F] =	sst lr;
	_ =	strace $0xD0000000  }
0x3: {  	_ = 	snop  }
0x4: {  	_ = 	snop  }
0x5: {  	_ = 	snop  }
0x6: {  	_ = 	snop  }
0x7: {  	_ = 	snop  }
__scs_overlays_trampoline_lowered:
0x8: {  	[smem:$0x3FAE] =	sst s0  }
0x9: {  	[smem:$0x3FAF] =	sst s1  }
0xa: {  	[smem:$0x3FB0] =	sst s2  }
0xb: {  	[smem:$0x3FB1] =	sst s3  }
0xc: {  	[smem:$0x3FB2] =	sst s4  }
0xd: {  	[smem:$0x3FB3] =	sst s5  }
0xe: {  	[smem:$0x3FB4] =	sst s6  }
0xf: {  	[smem:$0x3FB5] =	sst s7  }
0x10: {  	[smem:$0x3FB6] =	sst s8  }
0x11: {  	[smem:$0x3FB7] =	sst s9;
	s0 =	simm.s32 @!p0 $0x0  }
0x12: {  	s1 =	sld [smem:$0x3F9D];
	s0 =	simm.s32 @p0 $0x1  }
0x13: {  	[smem:$0x3FB8] =	sst s0;
	s0 =	simm.s32 @!p1 $0x0  }
0x14: {  	s2 =	sld [smem:$0x3F9C];
	s0 =	simm.s32 @p1 $0x1  }
0x15: {  	[smem:$0x3FB9] =	sst s0;
	s0 =	simm.s32 @!p2 $0x0  }
0x16: {  	s3 =	sld [smem:$0x3FDB];
	s0 =	simm.s32 @p2 $0x1  }
0x17: {  	s4 =	simm.s32 $0x1BF5;
	[smem:$0x3FBB] =	sst s0  }
0x18: {  	s0 =	sld [smem:$0x3F9E];
	_ =	swait.ge [sflag:s4], $0x0  }
0x19: {  	s7 =	sld [smem:$0x3F9F]  }
0x1a: {  	s8 =	sadd.s32 $0xFFFFE003, lr  }
0x1b: {  	s9 =	sadd.s32 $0xFFFFFEF7, lr;
	s5 =	simm.s32 $0xFFFFFFFF;
	p2 =	slt.u32 s8, $0xFFFFF086  }
0x1c: {  	p1 =	slt.u32 s9, $0xF7A;
	s5 =	simm.s32 @!p2 $0x0  }
0x1d: {  	s5 =	simm.s32 @p1 $0x1;
	p0 =	seq.s32 s7, s2  }
0x1e: {  	s7 =	smul.u32 @!p0 $0xF7A, s2;
	p2 =	seq.s32 @!p0 s5, $0x0  }
0x1f: {  	s9 =	smul.u32 $0xF7A, s1;
	s8 =	simm.s32 @!p0 $0x1BF5;
	p2 =	por !p2, p0  }
0x20: {  	[sflag:s8] =	ssyncset.s32 @!p0 $0xFFFFF086;
	s6 =	sadd.s32 @!p0 s3, s7;
	s7 =	simm.s32 @!p0 $0x108  }
0x21: {  	s3 =	sadd.s32 s3, s9;
	s6 =	sadd.s32 @!p0 $0x88, s6;
	s7 =	simm.s32 @p2 $0x1082  }
0x22: {  	[simem:s7], [sflag:s8] =	dma.local @!p0 [hbm:s6], $0xF7A  }
0x23: {  	s9 =	sor.u32 $0xD0000000, s2;
	s6 =	simm.s32 $0x108;
	_ =	swait.ge @!p0 [sflag:s8], $0x0  }
0x24: {  	s3 =	sadd.s32 $0x88, s3;
	s6 =	simm.s32 @!p1 $0x1082;
	[sflag:s4] =	ssyncset.s32 $0xFFFFF086  }
0x25: {  	[simem:s6], [sflag:s4] =	dma.local [hbm:s3], $0xF7A  }
0x26: {  	[smem:$0x3F9F] =	sst s1;
	(tag) =	ssettag s2;
	_ =	strace s9  }
0x27: {  	s1 =	sld [smem:$0x3FAF]  }
0x28: {  	s2 =	sld [smem:$0x3FB0]  }
0x29: {  	s4 =	sld [smem:$0x3FB2]  }
0x2a: {  	p0 =	seq.s32 s5, $0x0;
	s5 =	sld [smem:$0x3FB3]  }
0x2b: {  	s6 =	sld [smem:$0x3FB4]  }
0x2c: {  	s7 =	sld [smem:$0x3FB5]  }
0x2d: {  	s3 =	simm.s32 $0x108;
	s8 =	sld [smem:$0x3FB6]  }
0x2e: {  	s3 =	simm.s32 @!p0 $0x1082;
	s9 =	sld [smem:$0x3FB7]  }
0x2f: {  	lr =	sadd.s32 s0, s3;
	s0 =	sld [smem:$0x3FAE]  }
0x30: {  	s3 =	sld [smem:$0x3FB1]  }
0x31: {  	[smem:$0x3FBA] =	sst s10  }
0x32: {  	s10 =	sld [smem:$0x3FB8];
	_ =	sdelay $0x3  }
0x33: {  	p0 =	seq.s32 s10, $0x1;
	s10 =	sld [smem:$0x3FBA];
	_ =	sdelay $0x3  }
0x34: {  	[smem:$0x3FBA] =	sst s10  }
0x35: {  	s10 =	sld [smem:$0x3FB9];
	_ =	sdelay $0x3  }
0x36: {  	p1 =	seq.s32 s10, $0x1;
	s10 =	sld [smem:$0x3FBA];
	_ =	sdelay $0x3  }
0x37: {  	[smem:$0x3FBA] =	sst s10  }
0x38: {  	s10 =	sld [smem:$0x3FBB]  }
0x39: {  	_ = 	snop;
	(pc) =	sbr.ind lr, $3  }
0x3a: {  	_ = 	snop  }
0x3b: {  	_ = 	snop  }
0x3c: {  	p2 =	seq.s32 s10, $0x1;
	s10 =	sld [smem:$0x3FBA]  }
0x3d: {  	_ =	shalt  }
0x3e: {  	_ =	shalt  }
0x3f: {  	_ =	shalt  }
0x40: {  	_ =	shalt  }
0x41: {  	_ =	shalt  }
0x42: {  	_ =	shalt  }
0x43: {  	_ =	shalt  }
0x44: {  	_ =	shalt  }
0x45: {  	_ =	shalt  }
0x46: {  	_ =	shalt  }
0x47: {  	_ =	shalt  }
0x48: {  	_ =	shalt  }
0x49: {  	_ =	shalt  }
0x4a: {  	_ =	shalt  }
0x4b: {  	_ =	shalt  }
0x4c: {  	_ =	shalt  }
0x4d: {  	_ =	shalt  }
0x4e: {  	_ =	shalt  }
0x4f: {  	_ =	shalt  }
0x50: {  	_ =	shalt  }
0x51: {  	_ =	shalt  }
0x52: {  	_ =	shalt  }
0x53: {  	_ =	shalt  }
0x54: {  	_ =	shalt  }
0x55: {  	_ =	shalt  }
0x56: {  	_ =	shalt  }
0x57: {  	_ =	shalt  }
0x58: {  	_ =	shalt  }
0x59: {  	_ =	shalt  }
0x5a: {  	_ =	shalt  }
0x5b: {  	_ =	shalt  }
0x5c: {  	_ =	shalt  }
0x5d: {  	_ =	shalt  }
0x5e: {  	_ =	shalt  }
0x5f: {  	_ =	shalt  }
0x60: {  	_ =	shalt  }
0x61: {  	_ =	shalt  }
0x62: {  	_ =	shalt  }
0x63: {  	_ =	shalt  }
0x64: {  	_ =	shalt  }
0x65: {  	_ =	shalt  }
0x66: {  	_ =	shalt  }
0x67: {  	_ =	shalt  }
0x68: {  	_ =	shalt  }
0x69: {  	_ =	shalt  }
0x6a: {  	_ =	shalt  }
0x6b: {  	_ =	shalt  }
0x6c: {  	_ =	shalt  }
0x6d: {  	_ =	shalt  }
0x6e: {  	_ =	shalt  }
0x6f: {  	_ =	shalt  }
0x70: {  	_ =	shalt  }
0x71: {  	_ =	shalt  }
0x72: {  	_ =	shalt  }
0x73: {  	_ =	shalt  }
0x74: {  	_ =	shalt  }
0x75: {  	_ =	shalt  }
0x76: {  	_ =	shalt  }
0x77: {  	_ =	shalt  }
0x78: {  	_ =	shalt  }
0x79: {  	_ =	shalt  }
0x7a: {  	_ =	shalt  }
0x7b: {  	_ =	shalt  }
0x7c: {  	_ =	shalt  }
0x7d: {  	_ =	shalt  }
0x7e: {  	_ =	shalt  }
0x7f: {  	_ =	shalt  }
0x80: {  	_ =	shalt  }
0x81: {  	_ =	shalt  }
0x82: {  	_ =	shalt  }
0x83: {  	_ =	shalt  }
0x84: {  	_ =	shalt  }
0x85: {  	_ =	shalt  }
0x86: {  	_ =	shalt  }
0x87: {  	_ =	shalt  }
.Lfunc_end0:
.L_simem_size_0:
called_computation_lowered:
.L_overlay_start_0:
0x88: {  	s2 =	sld [smem:$0x3FD9]  }
0x89: {  	s3 =	sld [smem:$0x3FFE];
	_ =	sdelay $0x1  }
0x8a: {  	s1 =	srdreg.scid  }
0x8b: {  	s0 =	sand.u32 $0x1, s1  }
0x8c: {  	s14 =	sshll.u32 s0, $0xA;
	s2 =	sadd.s32 s3, s2  }
0x8d: {  	s2 =	sadd.s32 s2, s14  }
0x8e: {  	[smem:$0x3FC6] =	sst s2  }
0x8f: {  	_ = 	snop  }
0x90: {  	s2 =	sld [smem:$0x3FD0];
	_ =	sdelay $0x2  }
0x91: {  	s15 =	simm.s32 $0xA;
	s4 =	simm.s32 $0x10  }
0x92: {  	[smem:s4], [sflag:s15] =	dma.local [hbm:s2], $0x1  }
0x93: {  	_ =	swait.eq [sflag:s15], $0x1  }
0x94: {  	[sflag:s15] =	ssyncset.done $0x0  }
0x95: {  	[sflag:s15] =	ssyncadd.s32 $0xFFFFFFFF  }
0x96: {  	s16 =	sld [smem:$0x11];
	(tm) =	ssettm $0x1  }
0x97: {  	s17 =	sld [smem:$0x3FFB];
	_ =	sdelay $0x3  }
0x98: {  	_ =	strace s17  }
0x99: {  	s3 =	sld [smem:$0x3FFC];
	_ =	sdelay $0x3  }
0x9a: {  	_ =	strace s3  }
0x9b: {  	s3 =	sld [smem:$0x3FFD];
	_ =	sdelay $0x3  }
0x9c: {  	_ =	strace s3  }
0x9d: {  	_ =	strace $0x8FFFFFFF  }
0x9e: {  	s18 =	sld [smem:$0x3FDB];
	_ =	sdelay $0x1  }
0x9f: {  	s19 =	simm.s32 $_scs_section_size  }
0xa0: {  	s5 =	simm.s32 $_size__tile_overlayer_lowered;
	s6 =	simm.s32 $_tile_overlayer_lowered  }
0xa1: {  	s22 =	simm.s32 $0x1BFF;
	s21 =	sshll.u32 s6, $0x1;
	s3 =	sadd.s32 s19, s18  }
0xa2: {  	s7 =	simm.s32 $0x0;
	s20 =	sshll.u32 s5, $0x1;
	s5 =	sadd.s32 s21, s3  }
0xa3: {  	[timem:s7], [sflag:s22] =	dma.local [hbm:s5], s20  }
0xa4: {  	_ =	swait.ge [sflag:s22], s20  }
0xa5: {  	s4 =	ssub.s32 $0x0, s20;
	[sflag:s22] =	ssyncset.done $0x0  }
0xa6: {  	[sflag:s22] =	ssyncadd.s32 s4;
	_ =	sdelay $0x1  }
0xa7: {  	s23 =	simm.s32 $0x1B8B  }
0xa8: {  	_ =	swait.ge [sflag:s23], $0x1  }
0xa9: {  	[sflag:s23] =	ssyncset.done $0x0  }
0xaa: {  	s25 =	simm.s32 $0x1B8E;
	s24 =	sld [smem:$0x3FFE];
	[sflag:s23] =	ssyncadd.s32 $0xFFFFFFFF  }
0xab: {  	s26 =	simm.s32 $execute0_lowered;
	[smem:$0x3FD2] =	sst s25  }
0xac: {  	s5 =	sshll.u32 s26, $0x1;
	_ =	strace $0x80000046;
	[dreg:$0x1] =	wrdreg $0xFFFFFFFF  }
0xad: {  	s28 =	simm.s32 $_size_execute0_lowered;
	s3 =	sadd.s32 s3, s5;
	[dreg:$0x0] =	wrdreg $0x0  }
0xae: {  	s5 =	sshll.u32 s28, $0x1;
	[dreg:$0x2] =	wrdreg s3  }
0xaf: {  	[dreg:$0x3] =	wrdreg s5  }
0xb0: {  	[dreg:$0x4] =	wrdreg $0xC0  }
0xb1: {  	_ =	task [dreg:s7], $0x5FFFF  }
0xb2: {  	[dreg:$0x1] =	wrdreg $0xFFFFFFFF  }
0xb3: {  	[dreg:$0x0] =	wrdreg $0x60  }
0xb4: {  	[dreg:$0x2] =	wrdreg s24  }
0xb5: {  	[dreg:$0x3] =	wrdreg s16  }
0xb6: {  	[dreg:$0x4] =	wrdreg $0x9  }
0xb7: {  	_ =	task.clear_ibuf [dreg:s7], $0x5FFFF;
	_ =	strace $0x90000046  }
0xb8: {  	s29 =	simm.s32 $0x9;
	_ =	strace $0x80000048  }
0xb9: {  	_ =	swait.ge [sflag:s29], $0x1  }
0xba: {  	[sflag:s29] =	ssyncadd.s32 $0xFFFFFFFF  }
0xbb: {  	_ =	strace $0x90000048  }
0xbc: {  	_ =	sfence  }
0xbd: {  	s30 =	sld [smem:$0x0];
	_ =	sdelay $0x2  }
0xbe: {  	s31 =	sshll.u32 s1, $0xD;
	s1 =	sshrl.u32 s1, $0x2  }
0xbf: {  	s3 =	sand.u32 $0x4000, s31;
	s1 =	sadd.s32 s1, s30  }
0xc0: {  	s0 =	sor.u32 s3, s0;
	s1 =	sshll.u32 s1, $0x11  }
0xc1: {  	s0 =	sor.u32 s1, s0  }
0xc2: {  	s0 =	sadd.s32 $0x8F2B, s0  }
0xc3: {  	[sflag:s0] =	ssyncadd.remote.s32 $0x1  }
0xc4: {  	_ =	sfence.sel $0xFFFF  }
0xc5: {  	[dreg:$0x0] =	wrdreg $0xFFFFFFFF;
	(pc) =	sbr.abs _section_cstart, $3  }
0xc6: {  	[dreg:$0x1] =	wrdreg $0xFFFFFFFF  }
0xc7: {  	_ =	task.clear_ibuf [dreg:s7], $0x2FFFF;
	_ =	strace $0x9FFFFFFF  }
0xc8: {  	(tm) =	ssettm $0x7FFFFFFF  }
0xc9: {  	_ =	shalt  }
tec
execute0_lowered:
.L_overlay_start_1:
0x0: {  	(tag) =	ssettag $0x1  }
0x1: {  	s1 =	srdreg.scid;
	s4 =	rddreg [dreg:$0x0]  }
0x2: {  	s0 =	stileid.u32;
	s5 =	rddreg [dreg:$0x1]  }
0x3: {  	s2 =	simm.s32 $0x0;
	s3 =	sand.u32 $0x1, s1;
	s31 =	sshll.u32 s0, $0x1  }
0x4: {  	s10 =	simm.s32 $0x0;
	s1 =	rddreg [dreg:$0x2];
	s6 =	sor.u32 s3, s31  }
0x5: {  	[smem:$0x7FF] =	sst s2;
	s8 =	ssub.s32 $0x2, s3;
	s7 =	smul.u32 $0x3100, s6  }
0x6: {  	_ =	strace $0x80000047;
	s6 =	smul.u32 $0x188, s6;
	s9 =	sshrl.u32 s8, $0x1  }
0x7: {  	s3 =	sadd.s32 $0xA00, s4;
	s8 =	ssub.s32 s8, s9;
	s9 =	simm.s32 $0x4C40  }
0x8: {  	s7 =	sadd.s32 s7, s4;
	s4 =	sadd.s32 s5, s6;
	s6 =	smax.u32 s8, $0x1  }
0x9: {  	s8 =	simm.s32 $0x4000;
	s5 =	sadd.s32 $0x1200, s7;
	s7 =	simm.s32 $0x1  }
.LBB2_1:
0xa: {  	[tilespmem:s2], [sflag:$0x1] =	stream.linear.gather [hbm4b:s3+s2], $0x4000, $0x38;
	[tilespmem:$0x1D440] =	vst v63  }
0xb: {  	s11 =	simm.s32 $0x0  }
0xc: {  	_ =	swait.ge [sflag:s7], $0x4000;
	s12 =	sand.u32 $0xFE, s11  }
0xd: {  	[sflag:s7] =	ssyncset.done $0x0;
	s12 =	sshrl.u32 s12, $0x1  }
0xe: {  	[sflag:s7] =	ssyncadd.s32 $0xFFFFC000;
	s12 =	smul.u32 $0x93, s12  }
0xf: {  	[tilespmem:s8], [sflag:$0x1] =	stream.linear.gather [hbm4b:s4+s2], $0xC40, $0x38;
	[tilespmem:$0x1D440] =	vst v63  }
0x10: {  	s12 =	sshrl.u32 s12, $0xA  }
0x11: {  	s13 =	smul.u32 $0xE, s12  }
0x12: {  	s11 =	sor.u32 $0x1, s11;
	s14 =	smul.u32 $0x380, s12  }
0x13: {  	s11 =	ssub.s32 s11, s13  }
0x14: {  	_ =	swait.ge [sflag:s7], $0xC40;
	s14 =	sshrl.u32 s14, $0x2;
	s11 =	sshll.u32 s11, $0x4  }
0x15: {  	[sflag:s7] =	ssyncset.done $0x0;
	s14 =	sor.u32 $0x4000, s14;
	s11 =	sand.u32 $0xF0, s11  }
0x16: {  	[sflag:s7] =	ssyncadd.s32 $0xFFFFF3C0;
	s15 =	sadd.s32 s11, s14  }
0x17: {  	v0 =	vld [tilespmem:s15+$0x0];
	_ =	sdelay $0x4  }
0x18: {  	s13 =	ssub.s32 $0x0, s13;
	v4 =	vshll.u32 v0, $0x5  }
0x19: {  	s13 =	sshll.u32 s13, $0x4  }
0x1a: {  	s13 =	sand.u32 $0xF0, s13  }
0x1b: {  	s14 =	sadd.s32 s13, s14  }
0x1c: {  	v0 =	vld [tilespmem:s14+$0x0]  }
0x1d: {  	s12 =	smul.u32 $0x7000, s12;
	v1 =	vld.idx.msk [tilespmem:v4+s2+$0x0], $0xffff  }
0x1e: {  	v2 =	vor.u32 $0x1, v4  }
0x1f: {  	s12 =	sshrl.u32 s12, $0x2  }
0x20: {  	s12 =	sadd.s32 $0x4C40, s12  }
0x21: {  	s19 =	sadd.s32 s11, s12;
	v3 =	vshll.u32 v0, $0x5  }
0x22: {  	[tilespmem:s19+$0x0] =	vst v1  }
0x23: {  	v0 =	vld.idx.msk [tilespmem:v2+s2+$0x0], $0xffff  }
0x24: {  	v1 =	vor.u32 $0x2, v4;
	_ =	sdelay $0x1  }
0x25: {  	v2 =	vld.idx.msk [tilespmem:v3+s2+$0x0], $0xffff  }
0x26: {  	v5 =	vor.u32 $0x1, v3  }
0x27: {  	[tilespmem:s19+$0xE0] =	vst v0  }
0x28: {  	v0 =	vld.idx.msk [tilespmem:v1+s2+$0x0], $0xffff  }
0x29: {  	s11 =	sadd.s32 s13, s12;
	v1 =	vor.u32 $0x3, v4  }
0x2a: {  	[tilespmem:s11+$0x0] =	vst v2  }
0x2b: {  	v2 =	vld.idx.msk [tilespmem:v5+s2+$0x0], $0xffff  }
0x2c: {  	v5 =	vor.u32 $0x2, v3  }
0x2d: {  	[tilespmem:s19+$0x1C0] =	vst v0  }
0x2e: {  	v0 =	vld.idx.msk [tilespmem:v1+s2+$0x0], $0xffff  }
0x2f: {  	v1 =	vor.u32 $0x4, v4  }
0x30: {  	[tilespmem:s11+$0xE0] =	vst v2  }
0x31: {  	v2 =	vld.idx.msk [tilespmem:v5+s2+$0x0], $0xffff  }
0x32: {  	v5 =	vor.u32 $0x3, v3  }
0x33: {  	[tilespmem:s19+$0x2A0] =	vst v0  }
0x34: {  	v0 =	vld.idx.msk [tilespmem:v1+s2+$0x0], $0xffff  }
0x35: {  	v1 =	vor.u32 $0x5, v4  }
0x36: {  	[tilespmem:s11+$0x1C0] =	vst v2  }
0x37: {  	v2 =	vld.idx.msk [tilespmem:v5+s2+$0x0], $0xffff  }
0x38: {  	v5 =	vor.u32 $0x4, v3  }
0x39: {  	[tilespmem:s19+$0x380] =	vst v0  }
0x3a: {  	v0 =	vld.idx.msk [tilespmem:v1+s2+$0x0], $0xffff  }
0x3b: {  	v1 =	vor.u32 $0x6, v4  }
0x3c: {  	[tilespmem:s11+$0x2A0] =	vst v2  }
0x3d: {  	v2 =	vld.idx.msk [tilespmem:v5+s2+$0x0], $0xffff  }
0x3e: {  	s21 =	simm.s32 $0x2;
	v5 =	vor.u32 $0x5, v3  }
0x3f: {  	s22 =	sand.u32 $0xFE, s21;
	[tilespmem:s19+$0x460] =	vst v0  }
0x40: {  	s13 =	sshrl.u32 s22, $0x1;
	v0 =	vld.idx.msk [tilespmem:v1+s2+$0x0], $0xffff  }
0x41: {  	s13 =	smul.u32 $0x93, s13;
	v1 =	vor.u32 $0x7, v4  }
0x42: {  	[tilespmem:s11+$0x380] =	vst v2  }
0x43: {  	s13 =	sshrl.u32 s13, $0xA;
	v2 =	vld.idx.msk [tilespmem:v5+s2+$0x0], $0xffff  }
0x44: {  	s23 =	smul.u32 $0xE, s13;
	v5 =	vor.u32 $0x6, v3  }
0x45: {  	s12 =	sor.u32 $0x1, s21;
	s24 =	smul.u32 $0x380, s13;
	[tilespmem:s19+$0x540] =	vst v0  }
0x46: {  	s12 =	ssub.s32 s12, s23;
	v0 =	vld.idx.msk [tilespmem:v1+s2+$0x0], $0xffff  }
0x47: {  	s15 =	sshrl.u32 s24, $0x2;
	s12 =	sshll.u32 s12, $0x4;
	v1 =	vor.u32 $0x8, v4  }
0x48: {  	s15 =	sor.u32 $0x4000, s15;
	s12 =	sand.u32 $0xF0, s12;
	[tilespmem:s11+$0x460] =	vst v2  }
0x49: {  	s14 =	ssub.s32 $0x2, s23;
	s16 =	sadd.s32 s12, s15;
	v2 =	vld.idx.msk [tilespmem:v5+s2+$0x0], $0xffff  }
0x4a: {  	s14 =	sshll.u32 s14, $0x4;
	v5 =	vld [tilespmem:s16+$0x0]  }
0x4b: {  	s14 =	sand.u32 $0xF0, s14;
	v6 =	vor.u32 $0x7, v3;
	[tilespmem:s19+$0x620] =	vst v0  }
0x4c: {  	s15 =	sadd.s32 s14, s15;
	v1 =	vld.idx.msk [tilespmem:v1+s2+$0x0], $0xffff  }
0x4d: {  	v9 =	vor.u32 $0x9, v4;
	v7 =	vld [tilespmem:s15+$0x0];
	_ =	sdelay $0x1  }
0x4e: {  	[tilespmem:s11+$0x540] =	vst v2;
	v0 =	vshll.u32 v5, $0x5  }
0x4f: {  	v2 =	vld.idx.msk [tilespmem:v6+s2+$0x0], $0xffff  }
0x50: {  	v5 =	vor.u32 $0x8, v3;
	[tilespmem:s19+$0x700] =	vst v1  }
0x51: {  	v8 =	vshll.u32 v7, $0x5;
	v1 =	vld.idx.msk [tilespmem:v9+s2+$0x0], $0xffff  }
0x52: {  	v6 =	vor.u32 $0xA, v4  }
0x53: {  	s13 =	smul.u32 $0x7000, s13;
	v7 =	vld.idx.msk [tilespmem:v0+s2+$0x0], $0xffff  }
0x54: {  	[tilespmem:s11+$0x620] =	vst v2;
	v2 =	vor.u32 $0x1, v0  }
0x55: {  	s13 =	sshrl.u32 s13, $0x2;
	v5 =	vld.idx.msk [tilespmem:v5+s2+$0x0], $0xffff  }
0x56: {  	s13 =	sadd.s32 $0x4C40, s13;
	v10 =	vld.idx.msk [tilespmem:v8+s2+$0x0], $0xffff;
	v9 =	vor.u32 $0x9, v3;
	[tilespmem:s19+$0x7E0] =	vst v1  }
0x57: {  	s12 =	sadd.s32 s12, s13;
	v1 =	vor.u32 $0x1, v8;
	v6 =	vld.idx.msk [tilespmem:v6+s2+$0x0], $0xffff  }
0x58: {  	[tilespmem:s12+$0x0] =	vst v7;
	v7 =	vor.u32 $0xB, v4  }
0x59: {  	v2 =	vld.idx.msk [tilespmem:v2+s2+$0x0], $0xffff  }
0x5a: {  	s13 =	sadd.s32 s14, s13;
	[tilespmem:s11+$0x700] =	vst v5;
	v5 =	vor.u32 $0x2, v0  }
0x5b: {  	[tilespmem:s13+$0x0] =	vst v10;
	v9 =	vld.idx.msk [tilespmem:v9+s2+$0x0], $0xffff  }
0x5c: {  	v10 =	vor.u32 $0xA, v3;
	v1 =	vld.idx.msk [tilespmem:v1+s2+$0x0], $0xffff;
	[tilespmem:s19+$0x8C0] =	vst v6  }
0x5d: {  	v6 =	vor.u32 $0x2, v8;
	v7 =	vld.idx.msk [tilespmem:v7+s2+$0x0], $0xffff  }
0x5e: {  	[tilespmem:s12+$0xE0] =	vst v2;
	v2 =	vor.u32 $0xC, v4  }
0x5f: {  	v5 =	vld.idx.msk [tilespmem:v5+s2+$0x0], $0xffff  }
0x60: {  	[tilespmem:s11+$0x7E0] =	vst v9;
	v9 =	vor.u32 $0x3, v0  }
0x61: {  	v10 =	vld.idx.msk [tilespmem:v10+s2+$0x0], $0xffff;
	[tilespmem:s13+$0xE0] =	vst v1  }
0x62: {  	v1 =	vor.u32 $0xB, v3;
	v6 =	vld.idx.msk [tilespmem:v6+s2+$0x0], $0xffff;
	[tilespmem:s19+$0x9A0] =	vst v7  }
0x63: {  	v7 =	vor.u32 $0x3, v8;
	v2 =	vld.idx.msk [tilespmem:v2+s2+$0x0], $0xffff  }
0x64: {  	[tilespmem:s12+$0x1C0] =	vst v5;
	v5 =	vor.u32 $0xD, v4  }
0x65: {  	v9 =	vld.idx.msk [tilespmem:v9+s2+$0x0], $0xffff  }
0x66: {  	[tilespmem:s11+$0x8C0] =	vst v10;
	v10 =	vor.u32 $0x4, v0  }
0x67: {  	v1 =	vld.idx.msk [tilespmem:v1+s2+$0x0], $0xffff;
	[tilespmem:s13+$0x1C0] =	vst v6  }
0x68: {  	v6 =	vor.u32 $0xC, v3;
	v7 =	vld.idx.msk [tilespmem:v7+s2+$0x0], $0xffff;
	[tilespmem:s19+$0xA80] =	vst v2  }
0x69: {  	v2 =	vor.u32 $0x4, v8;
	v5 =	vld.idx.msk [tilespmem:v5+s2+$0x0], $0xffff  }
0x6a: {  	[tilespmem:s12+$0x2A0] =	vst v9;
	v9 =	vor.u32 $0xE, v4  }
0x6b: {  	v10 =	vld.idx.msk [tilespmem:v10+s2+$0x0], $0xffff  }
0x6c: {  	[tilespmem:s11+$0x9A0] =	vst v1;
	v1 =	vor.u32 $0x5, v0  }
0x6d: {  	v6 =	vld.idx.msk [tilespmem:v6+s2+$0x0], $0xffff;
	[tilespmem:s13+$0x2A0] =	vst v7  }
0x6e: {  	v7 =	vor.u32 $0xD, v3;
	v2 =	vld.idx.msk [tilespmem:v2+s2+$0x0], $0xffff;
	[tilespmem:s19+$0xB60] =	vst v5  }
0x6f: {  	v5 =	vor.u32 $0x5, v8;
	v9 =	vld.idx.msk [tilespmem:v9+s2+$0x0], $0xffff  }
0x70: {  	[tilespmem:s12+$0x380] =	vst v10;
	v10 =	vor.u32 $0xF, v4  }
0x71: {  	v1 =	vld.idx.msk [tilespmem:v1+s2+$0x0], $0xffff  }
0x72: {  	[tilespmem:s11+$0xA80] =	vst v6;
	v6 =	vor.u32 $0x6, v0  }
0x73: {  	v7 =	vld.idx.msk [tilespmem:v7+s2+$0x0], $0xffff;
	[tilespmem:s13+$0x380] =	vst v2  }
0x74: {  	v2 =	vor.u32 $0xE, v3;
	v5 =	vld.idx.msk [tilespmem:v5+s2+$0x0], $0xffff;
	[tilespmem:s19+$0xC40] =	vst v9  }
0x75: {  	v9 =	vor.u32 $0x6, v8;
	v10 =	vld.idx.msk [tilespmem:v10+s2+$0x0], $0xffff  }
0x76: {  	s25 =	simm.s32 $0x4;
	[tilespmem:s12+$0x460] =	vst v1;
	v1 =	vor.u32 $0x10, v4  }
0x77: {  	s26 =	sand.u32 $0xFE, s25;
	v6 =	vld.idx.msk [tilespmem:v6+s2+$0x0], $0xffff  }
0x78: {  	s15 =	sshrl.u32 s26, $0x1;
	[tilespmem:s11+$0xB60] =	vst v7;
	v7 =	vor.u32 $0x7, v0  }
0x79: {  	s15 =	smul.u32 $0x93, s15;
	v2 =	vld.idx.msk [tilespmem:v2+s2+$0x0], $0xffff;
	[tilespmem:s13+$0x460] =	vst v5  }
0x7a: {  	v5 =	vor.u32 $0xF, v3;
	v9 =	vld.idx.msk [tilespmem:v9+s2+$0x0], $0xffff;
	[tilespmem:s19+$0xD20] =	vst v10  }
0x7b: {  	s15 =	sshrl.u32 s15, $0xA;
	v10 =	vor.u32 $0x7, v8;
	v1 =	vld.idx.msk [tilespmem:v1+s2+$0x0], $0xffff  }
0x7c: {  	s28 =	smul.u32 $0xE, s15;
	[tilespmem:s12+$0x540] =	vst v6;
	v6 =	vor.u32 $0x11, v4  }
0x7d: {  	s14 =	sor.u32 $0x1, s25;
	s17 =	smul.u32 $0x380, s15;
	v7 =	vld.idx.msk [tilespmem:v7+s2+$0x0], $0xffff  }
0x7e: {  	s14 =	ssub.s32 s14, s28;
	[tilespmem:s11+$0xC40] =	vst v2;
	v2 =	vor.u32 $0x8, v0  }
0x7f: {  	s17 =	sshrl.u32 s17, $0x2;
	s14 =	sshll.u32 s14, $0x4;
	v5 =	vld.idx.msk [tilespmem:v5+s2+$0x0], $0xffff;
	[tilespmem:s13+$0x540] =	vst v9  }
0x80: {  	s17 =	sor.u32 $0x4000, s17;
	s14 =	sand.u32 $0xF0, s14;
	s16 =	ssub.s32 $0x4, s28;
	v9 =	vor.u32 $0x10, v3;
	v10 =	vld.idx.msk [tilespmem:v10+s2+$0x0], $0xffff;
	[tilespmem:s19+$0xE00] =	vst v1  }
0x81: {  	s18 =	sadd.s32 s14, s17;
	s16 =	sshll.u32 s16, $0x4;
	v1 =	vld.idx.msk [tilespmem:v6+s2+$0x0], $0xffff  }
0x82: {  	s16 =	sand.u32 $0xF0, s16;
	[tilespmem:s12+$0x620] =	vst v7;
	v7 =	vor.u32 $0x12, v4;
	v6 =	vld [tilespmem:s18+$0x0]  }
0x83: {  	s17 =	sadd.s32 s16, s17;
	v2 =	vld.idx.msk [tilespmem:v2+s2+$0x0], $0xffff  }
0x84: {  	v11 =	vor.u32 $0x8, v8;
	[tilespmem:s11+$0xD20] =	vst v5;
	v5 =	vld [tilespmem:s17+$0x0]  }
0x85: {  	v12 =	vor.u32 $0x9, v0;
	v9 =	vld.idx.msk [tilespmem:v9+s2+$0x0], $0xffff  }
0x86: {  	v13 =	vor.u32 $0x11, v3;
	[tilespmem:s19+$0xEE0] =	vst v1  }
0x87: {  	v1 =	vshll.u32 v6, $0x5;
	v7 =	vld.idx.msk [tilespmem:v7+s2+$0x0], $0xffff  }
0x88: {  	[tilespmem:s13+$0x620] =	vst v10;
	v6 =	vor.u32 $0x13, v4  }
0x89: {  	v10 =	vld.idx.msk [tilespmem:v11+s2+$0x0], $0xffff;
	[tilespmem:s12+$0x700] =	vst v2;
	v21 =	vshll.u32 v5, $0x5  }
0x8a: {  	v2 =	vor.u32 $0x9, v8;
	v5 =	vld.idx.msk [tilespmem:v12+s2+$0x0], $0xffff;
	[tilespmem:s11+$0xE00] =	vst v9  }
0x8b: {  	v11 =	vor.u32 $0xA, v0;
	v9 =	vld.idx.msk [tilespmem:v13+s2+$0x0], $0xffff  }
0x8c: {  	s15 =	smul.u32 $0x7000, s15;
	v12 =	vor.u32 $0x12, v3;
	v13 =	vld.idx.msk [tilespmem:v1+s2+$0x0], $0xffff;
	[tilespmem:s19+$0xFC0] =	vst v7  }
0x8d: {  	v7 =	vor.u32 $0x1, v1;
	v6 =	vld.idx.msk [tilespmem:v6+s2+$0x0], $0xffff  }
0x8e: {  	v14 =	vor.u32 $0x14, v4;
	s15 =	sshrl.u32 s15, $0x2;
	[tilespmem:s13+$0x700] =	vst v10;
	v10 =	vld.idx.msk [tilespmem:v21+s2+$0x0], $0xffff  }
0x8f: {  	s15 =	sadd.s32 $0x4C40, s15;
	v15 =	vor.u32 $0x1, v21;
	v2 =	vld.idx.msk [tilespmem:v2+s2+$0x0], $0xffff;
	[tilespmem:s12+$0x7E0] =	vst v5  }
0x90: {  	s14 =	sadd.s32 s14, s15;
	v5 =	vor.u32 $0xA, v8;
	[tilespmem:s11+$0xEE0] =	vst v9;
	v9 =	vld.idx.msk [tilespmem:v11+s2+$0x0], $0xffff  }
0x91: {  	v11 =	vor.u32 $0xB, v0;
	v12 =	vld.idx.msk [tilespmem:v12+s2+$0x0], $0xffff;
	[tilespmem:s14+$0x0] =	vst v13  }
0x92: {  	s15 =	sadd.s32 s16, s15;
	v13 =	vor.u32 $0x13, v3;
	v7 =	vld.idx.msk [tilespmem:v7+s2+$0x0], $0xffff;
	[tilespmem:s19+$0x10A0] =	vst v6  }
0x93: {  	[tilespmem:s15+$0x0] =	vst v10;
	v10 =	vor.u32 $0x2, v1;
	v6 =	vld.idx.msk [tilespmem:v14+s2+$0x0], $0xffff  }
0x94: {  	[tilespmem:s13+$0x7E0] =	vst v2;
	v2 =	vor.u32 $0x15, v4;
	v14 =	vld.idx.msk [tilespmem:v15+s2+$0x0], $0xffff  }
0x95: {  	v5 =	vld.idx.msk [tilespmem:v5+s2+$0x0], $0xffff;
	v15 =	vor.u32 $0x2, v21;
	[tilespmem:s12+$0x8C0] =	vst v9  }
0x96: {  	v9 =	vor.u32 $0xB, v8;
	v11 =	vld.idx.msk [tilespmem:v11+s2+$0x0], $0xffff;
	[tilespmem:s11+$0xFC0] =	vst v12  }
0x97: {  	v12 =	vld.idx.msk [tilespmem:v13+s2+$0x0], $0xffff;
	[tilespmem:s14+$0xE0] =	vst v7;
	v7 =	vor.u32 $0xC, v0  }
0x98: {  	v13 =	vor.u32 $0x14, v3;
	v10 =	vld.idx.msk [tilespmem:v10+s2+$0x0], $0xffff;
	[tilespmem:s19+$0x1180] =	vst v6  }
0x99: {  	[tilespmem:s15+$0xE0] =	vst v14;
	v6 =	vor.u32 $0x3, v1;
	v2 =	vld.idx.msk [tilespmem:v2+s2+$0x0], $0xffff  }
0x9a: {  	[tilespmem:s13+$0x8C0] =	vst v5;
	v5 =	vor.u32 $0x16, v4;
	v14 =	vld.idx.msk [tilespmem:v15+s2+$0x0], $0xffff  }
0x9b: {  	v9 =	vld.idx.msk [tilespmem:v9+s2+$0x0], $0xffff;
	v15 =	vor.u32 $0x3, v21;
	[tilespmem:s12+$0x9A0] =	vst v11  }
0x9c: {  	v11 =	vor.u32 $0xC, v8;
	[tilespmem:s11+$0x10A0] =	vst v12;
	v7 =	vld.idx.msk [tilespmem:v7+s2+$0x0], $0xffff  }
0x9d: {  	v12 =	vld.idx.msk [tilespmem:v13+s2+$0x0], $0xffff;
	[tilespmem:s14+$0x1C0] =	vst v10;
	v10 =	vor.u32 $0xD, v0  }
0x9e: {  	v13 =	vor.u32 $0x15, v3;
	v6 =	vld.idx.msk [tilespmem:v6+s2+$0x0], $0xffff;
	[tilespmem:s19+$0x1260] =	vst v2  }
0x9f: {  	[tilespmem:s15+$0x1C0] =	vst v14;
	v2 =	vld.idx.msk [tilespmem:v5+s2+$0x0], $0xffff;
	v5 =	vor.u32 $0x4, v1  }
0xa0: {  	[tilespmem:s13+$0x9A0] =	vst v9;
	v9 =	vor.u32 $0x17, v4;
	v14 =	vld.idx.msk [tilespmem:v15+s2+$0x0], $0xffff  }
0xa1: {  	v11 =	vld.idx.msk [tilespmem:v11+s2+$0x0], $0xffff;
	v15 =	vor.u32 $0x4, v21;
	[tilespmem:s12+$0xA80] =	vst v7  }
0xa2: {  	v7 =	vor.u32 $0xD, v8;
	[tilespmem:s11+$0x1180] =	vst v12;
	v10 =	vld.idx.msk [tilespmem:v10+s2+$0x0], $0xffff  }
0xa3: {  	v12 =	vld.idx.msk [tilespmem:v13+s2+$0x0], $0xffff;
	[tilespmem:s14+$0x2A0] =	vst v6;
	v6 =	vor.u32 $0xE, v0  }
0xa4: {  	v13 =	vor.u32 $0x16, v3;
	v5 =	vld.idx.msk [tilespmem:v5+s2+$0x0], $0xffff;
	[tilespmem:s19+$0x1340] =	vst v2  }
0xa5: {  	[tilespmem:s15+$0x2A0] =	vst v14;
	v2 =	vld.idx.msk [tilespmem:v9+s2+$0x0], $0xffff;
	v9 =	vor.u32 $0x5, v1  }
0xa6: {  	[tilespmem:s13+$0xA80] =	vst v11;
	v11 =	vor.u32 $0x18, v4;
	v14 =	vld.idx.msk [tilespmem:v15+s2+$0x0], $0xffff  }
0xa7: {  	v15 =	vor.u32 $0x5, v21;
	v7 =	vld.idx.msk [tilespmem:v7+s2+$0x0], $0xffff;
	[tilespmem:s12+$0xB60] =	vst v10  }
0xa8: {  	v10 =	vor.u32 $0xE, v8;
	[tilespmem:s11+$0x1260] =	vst v12;
	v6 =	vld.idx.msk [tilespmem:v6+s2+$0x0], $0xffff  }
0xa9: {  	v12 =	vld.idx.msk [tilespmem:v13+s2+$0x0], $0xffff;
	[tilespmem:s14+$0x380] =	vst v5;
	v5 =	vor.u32 $0xF, v0  }
0xaa: {  	v13 =	vor.u32 $0x17, v3;
	v9 =	vld.idx.msk [tilespmem:v9+s2+$0x0], $0xffff;
	[tilespmem:s19+$0x1420] =	vst v2  }
0xab: {  	s18 =	simm.s32 $0x6;
	[tilespmem:s15+$0x380] =	vst v14;
	v2 =	vld.idx.msk [tilespmem:v11+s2+$0x0], $0xffff;
	v11 =	vor.u32 $0x6, v1  }
0xac: {  	s29 =	sand.u32 $0xFE, s18;
	[tilespmem:s13+$0xB60] =	vst v7;
	v7 =	vor.u32 $0x19, v4;
	v14 =	vld.idx.msk [tilespmem:v15+s2+$0x0], $0xffff  }
0xad: {  	s16 =	sshrl.u32 s29, $0x1;
	v15 =	vor.u32 $0x6, v21;
	v10 =	vld.idx.msk [tilespmem:v10+s2+$0x0], $0xffff;
	[tilespmem:s12+$0xC40] =	vst v6  }
0xae: {  	s16 =	smul.u32 $0x93, s16;
	v6 =	vor.u32 $0xF, v8;
	[tilespmem:s11+$0x1340] =	vst v12;
	v5 =	vld.idx.msk [tilespmem:v5+s2+$0x0], $0xffff  }
0xaf: {  	v12 =	vld.idx.msk [tilespmem:v13+s2+$0x0], $0xffff;
	[tilespmem:s14+$0x460] =	vst v9;
	v9 =	vor.u32 $0x10, v0  }
0xb0: {  	s16 =	sshrl.u32 s16, $0xA;
	v13 =	vor.u32 $0x18, v3;
	v11 =	vld.idx.msk [tilespmem:v11+s2+$0x0], $0xffff;
	[tilespmem:s19+$0x1500] =	vst v2  }
0xb1: {  	s30 =	smul.u32 $0xE, s16;
	[tilespmem:s15+$0x460] =	vst v14;
	v2 =	vld.idx.msk [tilespmem:v7+s2+$0x0], $0xffff;
	v7 =	vor.u32 $0x7, v1  }
0xb2: {  	s21 =	sor.u32 $0x1, s18;
	s20 =	smul.u32 $0x380, s16;
	[tilespmem:s13+$0xC40] =	vst v10;
	v14 =	vld.idx.msk [tilespmem:v15+s2+$0x0], $0xffff  }
0xb3: {  	s21 =	ssub.s32 s21, s30;
	v10 =	vor.u32 $0x1A, v4;
	v6 =	vld.idx.msk [tilespmem:v6+s2+$0x0], $0xffff;
	[tilespmem:s12+$0xD20] =	vst v5  }
0xb4: {  	s20 =	sshrl.u32 s20, $0x2;
	s21 =	sshll.u32 s21, $0x4;
	v15 =	vor.u32 $0x7, v21;
	[tilespmem:s11+$0x1420] =	vst v12;
	v9 =	vld.idx.msk [tilespmem:v9+s2+$0x0], $0xffff  }
0xb5: {  	s20 =	sor.u32 $0x4000, s20;
	s21 =	sand.u32 $0xF0, s21;
	v12 =	vld.idx.msk [tilespmem:v13+s2+$0x0], $0xffff;
	[tilespmem:s14+$0x540] =	vst v11;
	v11 =	vor.u32 $0x11, v0  }
0xb6: {  	s22 =	sadd.s32 s21, s20;
	v5 =	vor.u32 $0x10, v8;
	v7 =	vld.idx.msk [tilespmem:v7+s2+$0x0], $0xffff;
	[tilespmem:s19+$0x15E0] =	vst v2  }
0xb7: {  	[tilespmem:s15+$0x540] =	vst v14;
	v14 =	vld [tilespmem:s22+$0x0]  }
0xb8: {  	s17 =	ssub.s32 $0x6, s30;
	[tilespmem:s13+$0xD20] =	vst v6;
	v2 =	vld.idx.msk [tilespmem:v10+s2+$0x0], $0xffff;
	v10 =	vor.u32 $0x8, v1  }
0xb9: {  	s17 =	sshll.u32 s17, $0x4;
	v6 =	vor.u32 $0x1B, v4;
	v13 =	vld.idx.msk [tilespmem:v15+s2+$0x0], $0xffff;
	[tilespmem:s12+$0xE00] =	vst v9  }
0xba: {  	s17 =	sand.u32 $0xF0, s17;
	v9 =	vor.u32 $0x8, v21;
	v11 =	vld.idx.msk [tilespmem:v11+s2+$0x0], $0xffff  }
0xbb: {  	s20 =	sadd.s32 s17, s20;
	v5 =	vld.idx.msk [tilespmem:v5+s2+$0x0], $0xffff;
	[tilespmem:s14+$0x620] =	vst v7;
	v7 =	vor.u32 $0x12, v0  }
0xbc: {  	v17 =	vld [tilespmem:s20+$0x0];
	v15 =	vor.u32 $0x11, v8  }
0xbd: {  	v16 =	vor.u32 $0x19, v3;
	v10 =	vld.idx.msk [tilespmem:v10+s2+$0x0], $0xffff;
	[tilespmem:s19+$0x16C0] =	vst v2  }
0xbe: {  	[tilespmem:s15+$0x620] =	vst v13;
	v13 =	vor.u32 $0x9, v1;
	v6 =	vld.idx.msk [tilespmem:v6+s2+$0x0], $0xffff  }
0xbf: {  	v2 =	vshll.u32 v14, $0x5;
	v9 =	vld.idx.msk [tilespmem:v9+s2+$0x0], $0xffff;
	[tilespmem:s12+$0xEE0] =	vst v11  }
0xc0: {  	[tilespmem:s13+$0xE00] =	vst v5;
	v11 =	vor.u32 $0x1C, v4;
	v5 =	vld.idx.msk [tilespmem:v7+s2+$0x0], $0xffff  }
0xc1: {  	[tilespmem:s11+$0x1500] =	vst v12;
	v14 =	vor.u32 $0x9, v21;
	v7 =	vld.idx.msk [tilespmem:v15+s2+$0x0], $0xffff  }
0xc2: {  	v12 =	vor.u32 $0x13, v0;
	[tilespmem:s14+$0x700] =	vst v10;
	v10 =	vld.idx.msk [tilespmem:v16+s2+$0x0], $0xffff  }
0xc3: {  	v27 =	vshll.u32 v17, $0x5;
	v13 =	vld.idx.msk [tilespmem:v13+s2+$0x0], $0xffff;
	[tilespmem:s19+$0x17A0] =	vst v6  }
0xc4: {  	s16 =	smul.u32 $0x7000, s16;
	v15 =	vld.idx.msk [tilespmem:v2+s2+$0x0], $0xffff;
	v16 =	vor.u32 $0x12, v8;
	[tilespmem:s15+$0x700] =	vst v9  }
0xc5: {  	v6 =	vld.idx.msk [tilespmem:v11+s2+$0x0], $0xffff;
	v11 =	vor.u32 $0xA, v1;
	[tilespmem:s12+$0xFC0] =	vst v5  }
0xc6: {  	s16 =	sshrl.u32 s16, $0x2;
	v14 =	vld.idx.msk [tilespmem:v14+s2+$0x0], $0xffff;
	v5 =	vor.u32 $0x1D, v4;
	[tilespmem:s13+$0xEE0] =	vst v7  }
0xc7: {  	s31 =	sadd.s32 $0x4C40, s16;
	v9 =	vld.idx.msk [tilespmem:v12+s2+$0x0], $0xffff;
	v12 =	vor.u32 $0x1, v2;
	[tilespmem:s11+$0x15E0] =	vst v10  }
0xc8: {  	s16 =	sadd.s32 s21, s31;
	v7 =	vld.idx.msk [tilespmem:v27+s2+$0x0], $0xffff;
	[tilespmem:s14+$0x7E0] =	vst v13;
	v13 =	vor.u32 $0x14, v0  }
0xc9: {  	v17 =	vor.u32 $0x1, v27;
	[tilespmem:s16+$0x0] =	vst v15;
	v15 =	vld.idx.msk [tilespmem:v16+s2+$0x0], $0xffff  }
0xca: {  	v16 =	vor.u32 $0x13, v8;
	v11 =	vld.idx.msk [tilespmem:v11+s2+$0x0], $0xffff;
	[tilespmem:s19+$0x1880] =	vst v6  }
0xcb: {  	v6 =	vor.u32 $0xA, v21;
	[tilespmem:s15+$0x7E0] =	vst v14;
	v5 =	vld.idx.msk [tilespmem:v5+s2+$0x0], $0xffff  }
0xcc: {  	s17 =	sadd.s32 s17, s31;
	v10 =	vor.u32 $0xB, v1;
	v12 =	vld.idx.msk [tilespmem:v12+s2+$0x0], $0xffff;
	[tilespmem:s12+$0x10A0] =	vst v9  }
0xcd: {  	[tilespmem:s17+$0x0] =	vst v7;
	v9 =	vor.u32 $0x1E, v4;
	v7 =	vld.idx.msk [tilespmem:v13+s2+$0x0], $0xffff  }
0xce: {  	[tilespmem:s13+$0xFC0] =	vst v15;
	v13 =	vld.idx.msk [tilespmem:v17+s2+$0x0], $0xffff;
	v17 =	vor.u32 $0x2, v2  }
0xcf: {  	v14 =	vor.u32 $0x2, v27;
	v15 =	vld.idx.msk [tilespmem:v16+s2+$0x0], $0xffff;
	[tilespmem:s14+$0x8C0] =	vst v11  }
0xd0: {  	v6 =	vld.idx.msk [tilespmem:v6+s2+$0x0], $0xffff;
	v11 =	vor.u32 $0x15, v0;
	[tilespmem:s19+$0x1960] =	vst v5  }
0xd1: {  	v10 =	vld.idx.msk [tilespmem:v10+s2+$0x0], $0xffff;
	v5 =	vor.u32 $0xB, v21;
	[tilespmem:s16+$0xE0] =	vst v12  }
0xd2: {  	v9 =	vld.idx.msk [tilespmem:v9+s2+$0x0], $0xffff;
	v12 =	vor.u32 $0xC, v1;
	[tilespmem:s12+$0x1180] =	vst v7  }
0xd3: {  	v4 =	vor.u32 $0x1F, v4;
	v16 =	vld.idx.msk [tilespmem:v17+s2+$0x0], $0xffff;
	[tilespmem:s17+$0xE0] =	vst v13  }
0xd4: {  	v7 =	vor.u32 $0x14, v8;
	[tilespmem:s13+$0x10A0] =	vst v15;
	v14 =	vld.idx.msk [tilespmem:v14+s2+$0x0], $0xffff  }
0xd5: {  	v19 =	vor.u32 $0x3, v2;
	v11 =	vld.idx.msk [tilespmem:v11+s2+$0x0], $0xffff;
	[tilespmem:s15+$0x8C0] =	vst v6  }
0xd6: {  	v24 =	vor.u32 $0x3, v27;
	v22 =	vld.idx.msk [tilespmem:v5+s2+$0x0], $0xffff;
	[tilespmem:s14+$0x9A0] =	vst v10  }
0xd7: {  	v20 =	vor.u32 $0x1A, v3;
	v23 =	vor.u32 $0x1B, v3;
	v5 =	vor.u32 $0x16, v0;
	v25 =	vld.idx.msk [tilespmem:v12+s2+$0x0], $0xffff;
	[tilespmem:s19+$0x1A40] =	vst v9  }
0xd8: {  	v39 =	vor.u32 $0x1C, v3;
	v30 =	vor.u32 $0x1E, v3;
	v9 =	vor.u32 $0xC, v21;
	v4 =	vld.idx.msk [tilespmem:v4+s2+$0x0], $0xffff;
	[tilespmem:s16+$0x1C0] =	vst v16  }
0xd9: {  	v32 =	vor.u32 $0x16, v8;
	v58 =	vor.u32 $0x17, v8;
	v16 =	vor.u32 $0xD, v1;
	v26 =	vld.idx.msk [tilespmem:v7+s2+$0x0], $0xffff;
	[tilespmem:s17+$0x1C0] =	vst v14  }
0xda: {  	v31 =	vor.u32 $0x18, v8;
	v33 =	vor.u32 $0x19, v8;
	v29 =	vor.u32 $0x1A, v8;
	v19 =	vld.idx.msk [tilespmem:v19+s2+$0x0], $0xffff;
	[tilespmem:s12+$0x1260] =	vst v11  }
0xdb: {  	v28 =	vor.u32 $0x1B, v8;
	v18 =	vor.u32 $0x1C, v8;
	v17 =	vor.u32 $0x1F, v3;
	v14 =	vld.idx.msk [tilespmem:v24+s2+$0x0], $0xffff;
	[tilespmem:s15+$0x9A0] =	vst v22  }
0xdc: {  	v15 =	vor.u32 $0x1D, v8;
	v13 =	vor.u32 $0x1E, v8;
	v10 =	vor.u32 $0x1D, v3;
	v11 =	vld.idx.msk [tilespmem:v5+s2+$0x0], $0xffff;
	[tilespmem:s14+$0xA80] =	vst v25  }
0xdd: {  	v3 =	vor.u32 $0x15, v8;
	v12 =	vor.u32 $0x1F, v8;
	v8 =	vld.idx.msk [tilespmem:v9+s2+$0x0], $0xffff;
	[tilespmem:s19+$0x1B20] =	vst v4;
	v4 =	vor.u32 $0x10, v21  }
0xde: {  	v38 =	vld.idx.msk [tilespmem:v16+s2+$0x0], $0xffff;
	[tilespmem:$0x1FF70] =	vst v4  }
0xdf: {  	v5 =	vor.u32 $0x12, v21;
	[tilespmem:s13+$0x1180] =	vst v26  }
0xe0: {  	v4 =	vld.idx.msk [tilespmem:v20+s2+$0x0], $0xffff;
	[tilespmem:$0x1FF80] =	vst v5;
	v5 =	vor.u32 $0x13, v21  }
0xe1: {  	v24 =	vor.u32 $0x4, v2;
	[tilespmem:$0x1FF90] =	vst v5  }
0xe2: {  	v9 =	vor.u32 $0x17, v0;
	v5 =	vor.u32 $0x14, v21;
	[tilespmem:s16+$0x2A0] =	vst v19  }
0xe3: {  	v36 =	vor.u32 $0x4, v27;
	v3 =	vld.idx.msk [tilespmem:v3+s2+$0x0], $0xffff;
	[tilespmem:$0x1FFA0] =	vst v5;
	v5 =	vor.u32 $0x15, v21  }
0xe4: {  	v25 =	vor.u32 $0xD, v21;
	[tilespmem:$0x1FFB0] =	vst v5  }
0xe5: {  	v40 =	vor.u32 $0xE, v1;
	[tilespmem:s12+$0x1340] =	vst v11  }
0xe6: {  	v41 =	vld.idx.msk [tilespmem:v24+s2+$0x0], $0xffff;
	[tilespmem:s17+$0x2A0] =	vst v14  }
0xe7: {  	v62 =	vor.u32 $0x18, v0;
	v34 =	vor.u32 $0xE, v21;
	v63 =	vor.u32 $0x11, v21;
	[tilespmem:s15+$0xA80] =	vst v8;
	v42 =	vld.idx.msk [tilespmem:v9+s2+$0x0], $0xffff  }
0xe8: {  	v37 =	vor.u32 $0x16, v21;
	v35 =	vor.u32 $0x17, v21;
	v43 =	vor.u32 $0x5, v2;
	[tilespmem:s14+$0xB60] =	vst v38;
	v36 =	vld.idx.msk [tilespmem:v36+s2+$0x0], $0xffff  }
0xe9: {  	v7 =	vor.u32 $0xF, v21;
	v22 =	vor.u32 $0x19, v21;
	v16 =	vor.u32 $0x1D, v21;
	[tilespmem:s11+$0x16C0] =	vst v4;
	v25 =	vld.idx.msk [tilespmem:v25+s2+$0x0], $0xffff  }
0xea: {  	v26 =	vor.u32 $0x18, v21;
	v20 =	vor.u32 $0x1B, v21;
	v19 =	vor.u32 $0x1C, v21;
	v45 =	vld.idx.msk [tilespmem:v40+s2+$0x0], $0xffff;
	[tilespmem:s13+$0x1260] =	vst v3  }
0xeb: {  	v24 =	vor.u32 $0x1A, v21;
	v14 =	vor.u32 $0x1E, v21;
	v4 =	vor.u32 $0xC, v27;
	v23 =	vld.idx.msk [tilespmem:v23+s2+$0x0], $0xffff;
	[tilespmem:s16+$0x380] =	vst v41  }
0xec: {  	v11 =	vor.u32 $0x1F, v21;
	v21 =	vor.u32 $0x5, v27;
	v57 =	vld.idx.msk [tilespmem:v32+s2+$0x0], $0xffff;
	[tilespmem:$0x1FFC0] =	vst v4;
	v4 =	vor.u32 $0xD, v27  }
0xed: {  	[tilespmem:$0x1FFD0] =	vst v4  }
0xee: {  	v56 =	vor.u32 $0x6, v27;
	[tilespmem:s12+$0x1420] =	vst v42  }
0xef: {  	v54 =	vor.u32 $0x7, v27;
	v52 =	vor.u32 $0x8, v27;
	v3 =	vor.u32 $0xF, v1;
	v59 =	vld.idx.msk [tilespmem:v43+s2+$0x0], $0xffff;
	[tilespmem:s17+$0x380] =	vst v36  }
0xf0: {  	v49 =	vor.u32 $0x9, v27;
	v48 =	vor.u32 $0xA, v27;
	v5 =	vor.u32 $0x13, v27;
	[tilespmem:s15+$0xB60] =	vst v25;
	v60 =	vld.idx.msk [tilespmem:v62+s2+$0x0], $0xffff  }
0xf1: {  	v47 =	vor.u32 $0xB, v27;
	v55 =	vor.u32 $0xF, v27;
	v4 =	vld.idx.msk [tilespmem:v21+s2+$0x0], $0xffff;
	[tilespmem:$0x1FFE0] =	vst v5;
	v5 =	vor.u32 $0x14, v27  }
0xf2: {  	v53 =	vor.u32 $0x10, v27;
	v50 =	vor.u32 $0x11, v27;
	v62 =	vor.u32 $0x6, v2;
	[tilespmem:$0x1FFF0] =	vst v5  }
0xf3: {  	v44 =	vor.u32 $0x12, v27;
	v51 =	vor.u32 $0x18, v27;
	v46 =	vor.u32 $0x1B, v27;
	v61 =	vld.idx.msk [tilespmem:v34+s2+$0x0], $0xffff;
	[tilespmem:s14+$0xC40] =	vst v45  }
0xf4: {  	v9 =	vor.u32 $0xE, v27;
	v40 =	vor.u32 $0x19, v27;
	v32 =	vor.u32 $0x1A, v27;
	[tilespmem:s11+$0x17A0] =	vst v23;
	v3 =	vld.idx.msk [tilespmem:v3+s2+$0x0], $0xffff  }
0xf5: {  	v43 =	vor.u32 $0x15, v27;
	v36 =	vor.u32 $0x16, v27;
	v25 =	vor.u32 $0x17, v27;
	[tilespmem:s13+$0x1340] =	vst v57;
	v57 =	vld.idx.msk [tilespmem:v39+s2+$0x0], $0xffff  }
0xf6: {  	v21 =	vor.u32 $0x1C, v27;
	v34 =	vor.u32 $0x1E, v27;
	v39 =	vor.u32 $0x1D, v27;
	v58 =	vld.idx.msk [tilespmem:v58+s2+$0x0], $0xffff;
	[tilespmem:s16+$0x460] =	vst v59  }
0xf7: {  	v27 =	vor.u32 $0x1F, v27;
	v59 =	vor.u32 $0x19, v0;
	[tilespmem:s12+$0x1500] =	vst v60;
	v60 =	vld.idx.msk [tilespmem:v62+s2+$0x0], $0xffff;
	v62 =	vor.u32 $0x10, v1  }
.LBB2_2:
0xf8: {  	[tilespmem:$0x1FED0] =	vst v37  }
0xf9: {  	[tilespmem:$0x1FF60] =	vst v25  }
0xfa: {  	[tilespmem:$0x1FF50] =	vst v35  }
0xfb: {  	[tilespmem:$0x1FEB0] =	vst v32  }
0xfc: {  	[tilespmem:$0x1FEC0] =	vst v28  }
0xfd: {  	[tilespmem:s17+$0x460] =	vst v4  }
0xfe: {  	v5 =	vmov v55;
	v56 =	vld.idx.msk [tilespmem:v56+s2+$0x0], $0xffff;
	[tilespmem:s15+$0xC40] =	vst v61  }
0xff: {  	[tilespmem:$0x1FF00] =	vst v5  }
0x100: {  	v4 =	vld.idx.msk [tilespmem:v59+s2+$0x0], $0xffff;
	[tilespmem:s14+$0xD20] =	vst v3  }
0x101: {  	v61 =	vld.idx.msk [tilespmem:v7+s2+$0x0], $0xffff;
	[tilespmem:s11+$0x1880] =	vst v57  }
0x102: {  	s18 =	sadd.s32 $0x2, s18;
	v41 =	vor.u32 $0x7, v2;
	[tilespmem:s13+$0x1420] =	vst v58  }
0x103: {  	s19 =	sand.u32 $0xFE, s18;
	v5 =	vmov v51;
	v42 =	vld.idx.msk [tilespmem:v62+s2+$0x0], $0xffff;
	[tilespmem:s16+$0x540] =	vst v60  }
0x104: {  	s19 =	sshrl.u32 s19, $0x1;
	v7 =	vmov v15;
	[tilespmem:$0x1FF20] =	vst v5;
	v5 =	vld [tilespmem:$0x1FF70]  }
0x105: {  	s19 =	smul.u32 $0x93, s19;
	v6 =	vmov v26;
	[tilespmem:$0x1FF40] =	vst v7  }
0x106: {  	v3 =	vor.u32 $0x1A, v0;
	v57 =	vld.idx.msk [tilespmem:v10+s2+$0x0], $0xffff;
	[tilespmem:$0x1FEA0] =	vst v6  }
0x107: {  	s19 =	sshrl.u32 s19, $0xA;
	v51 =	vld.idx.msk [tilespmem:v41+s2+$0x0], $0xffff;
	[tilespmem:s12+$0x15E0] =	vst v4  }
0x108: {  	v45 =	vor.u32 $0x11, v1;
	v58 =	vld.idx.msk [tilespmem:v31+s2+$0x0], $0xffff;
	s20 =	smul.u32 $0xE, s19;
	[tilespmem:s17+$0x540] =	vst v56;
	v6 =	vmov v13  }
0x109: {  	s22 =	sor.u32 $0x1, s18;
	s21 =	smul.u32 $0x380, s19;
	[tilespmem:$0x1FF10] =	vst v6  }
0x10a: {  	v4 =	vld.idx.msk [tilespmem:v54+s2+$0x0], $0xffff;
	s23 =	ssub.s32 s18, s20;
	s20 =	ssub.s32 s22, s20;
	[tilespmem:s15+$0xD20] =	vst v61  }
0x10b: {  	v60 =	vor.u32 $0x8, v2;
	v3 =	vld.idx.msk [tilespmem:v3+s2+$0x0], $0xffff;
	s29 =	sshrl.u32 s21, $0x2;
	s20 =	sshll.u32 s20, $0x4;
	[tilespmem:s14+$0xE00] =	vst v42  }
0x10c: {  	s31 =	sor.u32 $0x4000, s29;
	s20 =	sand.u32 $0xF0, s20;
	v56 =	vld.idx.msk [tilespmem:v5+s2+$0x0], $0xffff;
	[tilespmem:s11+$0x1960] =	vst v57  }
0x10d: {  	v62 =	vor.u32 $0x1B, v0;
	v45 =	vld.idx.msk [tilespmem:v45+s2+$0x0], $0xffff;
	s22 =	sadd.s32 s20, s31;
	[tilespmem:s13+$0x1500] =	vst v58  }
0x10e: {  	s28 =	sshll.u32 s23, $0x4;
	v5 =	vmov v14;
	v42 =	vld [tilespmem:s22+$0x0];
	[tilespmem:s16+$0x620] =	vst v51;
	v57 =	vor.u32 $0x12, v1  }
0x10f: {  	s30 =	sand.u32 $0xF0, s28;
	v35 =	vld.idx.msk [tilespmem:v30+s2+$0x0], $0xffff;
	[tilespmem:$0x1FEF0] =	vst v5  }
0x110: {  	s23 =	sadd.s32 s30, s31;
	v54 =	vld.idx.msk [tilespmem:v60+s2+$0x0], $0xffff;
	[tilespmem:s17+$0x620] =	vst v4  }
0x111: {  	v58 =	vor.u32 $0x9, v2;
	[tilespmem:s12+$0x16C0] =	vst v3;
	v4 =	vld [tilespmem:s23+$0x0]  }
0x112: {  	v3 =	vld.idx.msk [tilespmem:v62+s2+$0x0], $0xffff;
	[tilespmem:s14+$0xEE0] =	vst v45  }
0x113: {  	v59 =	vor.u32 $0x1C, v0;
	[tilespmem:s15+$0xE00] =	vst v56;
	v51 =	vld.idx.msk [tilespmem:v57+s2+$0x0], $0xffff  }
0x114: {  	v5 =	vshll.u32 v42, $0x5;
	v52 =	vld.idx.msk [tilespmem:v52+s2+$0x0], $0xffff;
	[tilespmem:s11+$0x1A40] =	vst v35  }
0x115: {  	v32 =	vmovc v39;
	v7 =	vmov v53;
	v6 =	vmov v50;
	v50 =	vor.u32 $0x13, v1;
	[tilespmem:s16+$0x700] =	vst v54;
	v39 =	vld.idx.msk [tilespmem:v63+s2+$0x0], $0xffff  }
0x116: {  	[tilespmem:$0x1FF70] =	vst v7;
	v4 =	vshll.u32 v4, $0x5;
	v42 =	vld.idx.msk [tilespmem:v58+s2+$0x0], $0xffff  }
0x117: {  	v53 =	vld.idx.msk [tilespmem:v33+s2+$0x0], $0xffff;
	[tilespmem:s12+$0x17A0] =	vst v3;
	v7 =	vor.u32 $0x5, v4  }
0x118: {  	v3 =	vld.idx.msk [tilespmem:v59+s2+$0x0], $0xffff;
	[tilespmem:$0x1FEE0] =	vst v7  }
0x119: {  	v7 =	vld.idx.msk [tilespmem:v5+s2+$0x0], $0xffff;
	[tilespmem:s14+$0xFC0] =	vst v51  }
0x11a: {  	v31 =	vmov v34;
	[tilespmem:$0x1FF30] =	vst v6;
	v45 =	vor.u32 $0xA, v2;
	v34 =	vld.idx.msk [tilespmem:v50+s2+$0x0], $0xffff  }
0x11b: {  	[tilespmem:s16+$0x7E0] =	vst v42;
	v42 =	vmov v36;
	v36 =	vmov v20;
	v20 =	vld [tilespmem:$0x1FF80]  }
0x11c: {  	s19 =	smul.u32 $0x7000, s19;
	v14 =	vor.u32 $0x14, v1;
	v35 =	vmov v22;
	v51 =	vor.u32 $0x1D, v0;
	[tilespmem:s17+$0x700] =	vst v52  }
0x11d: {  	v22 =	vmovc v44;
	v33 =	vmovc v29;
	v29 =	vmov v12;
	v12 =	vor.u32 $0x1, v5;
	v63 =	vor.u32 $0x1, v4;
	v60 =	vld.idx.msk [tilespmem:v17+s2+$0x0], $0xffff;
	[tilespmem:s15+$0xEE0] =	vst v39  }
0x11e: {  	s19 =	sshrl.u32 s19, $0x2;
	v30 =	vmovc v9;
	v6 =	vor.u32 $0x2, v4;
	v62 =	vor.u32 $0x3, v4;
	v59 =	vor.u32 $0x4, v4;
	[tilespmem:$0x1FF80] =	vst v22;
	v9 =	vld.idx.msk [tilespmem:v4+s2+$0x0], $0xffff  }
0x11f: {  	s19 =	sadd.s32 $0x4C40, s19;
	v57 =	vmovc v27;
	v56 =	vor.u32 $0x6, v4;
	v54 =	vor.u32 $0x7, v4;
	v27 =	vor.u32 $0x9, v4;
	[tilespmem:s13+$0x15E0] =	vst v53;
	v15 =	vld.idx.msk [tilespmem:v45+s2+$0x0], $0xffff  }
0x120: {  	v25 =	vmovc v11;
	s21 =	sadd.s32 s30, s19;
	s19 =	sadd.s32 s20, s19;
	v8 =	vor.u32 $0xA, v4;
	v10 =	vor.u32 $0xB, v4;
	v11 =	vor.u32 $0xC, v4;
	[tilespmem:s12+$0x1880] =	vst v3;
	v13 =	vld.idx.msk [tilespmem:v49+s2+$0x0], $0xffff  }
0x121: {  	v26 =	vmovc v18;
	v61 =	vor.u32 $0xD, v4;
	v58 =	vor.u32 $0xE, v4;
	v55 =	vor.u32 $0xF, v4;
	v18 =	vld.idx.msk [tilespmem:v51+s2+$0x0], $0xffff;
	[tilespmem:s19+$0x0] =	vst v7  }
0x122: {  	v28 =	vmovc v16;
	v37 =	vmovc v40;
	v16 =	vor.u32 $0x13, v4;
	v40 =	vor.u32 $0x19, v4;
	v52 =	vor.u32 $0x8, v4;
	v12 =	vld.idx.msk [tilespmem:v12+s2+$0x0], $0xffff;
	[tilespmem:s11+$0x1B20] =	vst v60  }
0x123: {  	v50 =	vor.u32 $0x11, v4;
	v17 =	vor.u32 $0x14, v4;
	v22 =	vor.u32 $0x1B, v4;
	[tilespmem:s14+$0x10A0] =	vst v34;
	s11 =	smov.u32 s13;
	v20 =	vld.idx.msk [tilespmem:v20+s2+$0x0], $0xffff  }
0x124: {  	v39 =	vor.u32 $0x1D, v4;
	v53 =	vor.u32 $0x10, v4;
	v45 =	vmovc v19;
	v19 =	vor.u32 $0x15, v4;
	s13 =	smov.u32 s15;
	s15 =	smov.u32 s17;
	s17 =	smov.u32 s21;
	v14 =	vld.idx.msk [tilespmem:v14+s2+$0x0], $0xffff;
	[tilespmem:s16+$0x8C0] =	vst v15  }
0x125: {  	v3 =	vor.u32 $0x16, v4;
	v49 =	vmovc v27;
	v27 =	vor.u32 $0x12, v4;
	v7 =	vor.u32 $0xB, v2;
	v15 =	vld [tilespmem:$0x1FF90];
	[tilespmem:s17+$0x0] =	vst v9  }
0x126: {  	v44 =	vmovc v27;
	v51 =	vor.u32 $0x18, v4;
	v27 =	vor.u32 $0x1F, v4;
	v34 =	vor.u32 $0x1E, v4;
	v23 =	vld.idx.msk [tilespmem:v63+s2+$0x0], $0xffff;
	[tilespmem:s15+$0x7E0] =	vst v13  }
0x127: {  	v60 =	vor.u32 $0x17, v4;
	v9 =	vor.u32 $0x1A, v4;
	v63 =	vor.u32 $0x1C, v4;
	v4 =	vld.idx.msk [tilespmem:v48+s2+$0x0], $0xffff  }
0x128: {  	v38 =	vmov v21;
	v21 =	vor.u32 $0x1E, v0;
	[tilespmem:s13+$0xFC0] =	vst v20;
	v20 =	vld [tilespmem:$0x1FFE0];
	_ =	sdelay $0x2  }
0x129: {  	v41 =	vmov v24;
	v24 =	vor.u32 $0x2, v5  }
0x12a: {  	v7 =	vld.idx.msk [tilespmem:v7+s2+$0x0], $0xffff;
	[tilespmem:s12+$0x1960] =	vst v18  }
0x12b: {  	v48 =	vmov v8;
	v8 =	vld.idx.msk [tilespmem:v21+s2+$0x0], $0xffff;
	[tilespmem:s19+$0xE0] =	vst v12;
	v18 =	vmov v20  }
0x12c: {  	v13 =	vor.u32 $0x15, v1;
	v15 =	vld.idx.msk [tilespmem:v15+s2+$0x0], $0xffff;
	[tilespmem:s17+$0xE0] =	vst v23  }
0x12d: {  	v12 =	vor.u32 $0xC, v2;
	v6 =	vld.idx.msk [tilespmem:v6+s2+$0x0], $0xffff;
	[tilespmem:$0x1FF90] =	vst v18  }
0x12e: {  	v18 =	vmov v16;
	v16 =	vld.idx.msk [tilespmem:v24+s2+$0x0], $0xffff;
	[tilespmem:s14+$0x1180] =	vst v14;
	v14 =	vor.u32 $0x1F, v0  }
0x12f: {  	[tilespmem:s15+$0x8C0] =	vst v4;
	v20 =	vld [tilespmem:$0x1FFF0]  }
0x130: {  	v4 =	vld.idx.msk [tilespmem:v47+s2+$0x0], $0xffff  }
0x131: {  	v0 =	vmov v1;
	v1 =	vmov v2;
	v2 =	vmov v5;
	v5 =	vld.idx.msk [tilespmem:v13+s2+$0x0], $0xffff;
	[tilespmem:s16+$0x9A0] =	vst v7  }
0x132: {  	v47 =	vmov v10;
	v10 =	vld.idx.msk [tilespmem:v12+s2+$0x0], $0xffff;
	[tilespmem:s12+$0x1A40] =	vst v8  }
0x133: {  	v13 =	vor.u32 $0x3, v2;
	v8 =	vld.idx.msk [tilespmem:v14+s2+$0x0], $0xffff  }
0x134: {  	[tilespmem:$0x1FFE0] =	vst v18;
	v7 =	vor.u32 $0x16, v0;
	v18 =	vmov v20;
	v14 =	vld [tilespmem:$0x1FFA0]  }
0x135: {  	v12 =	vor.u32 $0xD, v1  }
0x136: {  	[tilespmem:s19+$0x1C0] =	vst v16  }
0x137: {  	[tilespmem:$0x1FFA0] =	vst v18;
	v18 =	vmov v17  }
0x138: {  	v13 =	vld.idx.msk [tilespmem:v13+s2+$0x0], $0xffff;
	[tilespmem:s14+$0x1260] =	vst v5  }
0x139: {  	v5 =	vld.idx.msk [tilespmem:v7+s2+$0x0], $0xffff;
	[tilespmem:s16+$0xA80] =	vst v10  }
0x13a: {  	[tilespmem:$0x1FFF0] =	vst v18;
	v18 =	vmov v11;
	v11 =	vld.idx.msk [tilespmem:v12+s2+$0x0], $0xffff  }
0x13b: {  	[tilespmem:s13+$0x10A0] =	vst v15;
	v12 =	vld [tilespmem:$0x1FEB0]  }
0x13c: {  	v14 =	vld.idx.msk [tilespmem:v14+s2+$0x0], $0xffff;
	[tilespmem:s17+$0x1C0] =	vst v6  }
0x13d: {  	v6 =	vld.idx.msk [tilespmem:v62+s2+$0x0], $0xffff  }
0x13e: {  	[tilespmem:s15+$0x9A0] =	vst v4;
	v4 =	vld [tilespmem:$0x1FFC0];
	_ =	sdelay $0x2  }
0x13f: {  	v24 =	vmov v12;
	v12 =	vld [tilespmem:$0x1FFB0];
	_ =	sdelay $0x4  }
0x140: {  	v4 =	vld.idx.msk [tilespmem:v4+s2+$0x0], $0xffff  }
0x141: {  	[tilespmem:s13+$0x1180] =	vst v14  }
0x142: {  	[tilespmem:s12+$0x1B20] =	vst v8;
	v8 =	vld.idx.msk [tilespmem:v33+s2+$0x0], $0xffff  }
0x143: {  	v12 =	vld.idx.msk [tilespmem:v12+s2+$0x0], $0xffff;
	[tilespmem:s17+$0x2A0] =	vst v6  }
0x144: {  	v6 =	vld.idx.msk [tilespmem:v59+s2+$0x0], $0xffff  }
0x145: {  	[tilespmem:s15+$0xA80] =	vst v4;
	v4 =	vld [tilespmem:$0x1FFD0]  }
0x146: {  	v7 =	vor.u32 $0x4, v2  }
0x147: {  	v10 =	vor.u32 $0x17, v0;
	_ =	sdelay $0x1  }
0x148: {  	s12 =	smov.u32 s14;
	s14 =	smov.u32 s16;
	s16 =	smov.u32 s19  }
0x149: {  	[tilespmem:s16+$0x2A0] =	vst v13  }
0x14a: {  	v13 =	vmov v43;
	v7 =	vld.idx.msk [tilespmem:v7+s2+$0x0], $0xffff;
	[tilespmem:s12+$0x1340] =	vst v5  }
0x14b: {  	v5 =	vld.idx.msk [tilespmem:v10+s2+$0x0], $0xffff;
	[tilespmem:$0x1FFB0] =	vst v13  }
0x14c: {  	[tilespmem:s14+$0xB60] =	vst v11;
	v13 =	vld.idx.msk [tilespmem:v4+s2+$0x0], $0xffff  }
0x14d: {  	v11 =	vmov v61;
	[tilespmem:s11+$0x16C0] =	vst v8;
	v8 =	vld [tilespmem:$0x1FEC0]  }
0x14e: {  	v16 =	vmov v32;
	v32 =	vmov v9;
	v9 =	vor.u32 $0xE, v1;
	[tilespmem:$0x1FFD0] =	vst v11;
	v11 =	vld [tilespmem:$0x1FED0]  }
0x14f: {  	v10 =	vor.u32 $0x5, v2  }
0x150: {  	v15 =	vmov v28;
	v28 =	vmov v36;
	v36 =	vmov v3;
	v3 =	vld [tilespmem:$0x1FEE0];
	_ =	sdelay $0x1  }
0x151: {  	v4 =	vor.u32 $0x18, v0  }
0x152: {  	v9 =	vld.idx.msk [tilespmem:v9+s2+$0x0], $0xffff;
	[tilespmem:s16+$0x380] =	vst v7  }
0x153: {  	v10 =	vld.idx.msk [tilespmem:v10+s2+$0x0], $0xffff;
	[tilespmem:s13+$0x1260] =	vst v12  }
0x154: {  	v8 =	vld.idx.msk [tilespmem:v8+s2+$0x0], $0xffff  }
0x155: {  	[tilespmem:s12+$0x1420] =	vst v5;
	v11 =	vld.idx.msk [tilespmem:v11+s2+$0x0], $0xffff  }
0x156: {  	v5 =	vld.idx.msk [tilespmem:v4+s2+$0x0], $0xffff;
	[tilespmem:s17+$0x380] =	vst v6  }
0x157: {  	v4 =	vld.idx.msk [tilespmem:v3+s2+$0x0], $0xffff;
	[tilespmem:s15+$0xB60] =	vst v13  }
0x158: {  	v61 =	vld.idx.msk [tilespmem:v30+s2+$0x0], $0xffff  }
0x159: {  	[tilespmem:s11+$0x17A0] =	vst v8;
	v8 =	vld [tilespmem:$0x1FF50]  }
0x15a: {  	v7 =	vor.u32 $0xF, v1;
	_ =	sdelay $0x1  }
0x15b: {  	v21 =	vmov v63;
	v63 =	vld [tilespmem:$0x1FF30]  }
0x15c: {  	v14 =	vmov v31;
	v31 =	vld [tilespmem:$0x1FEA0]  }
0x15d: {  	[tilespmem:s14+$0xC40] =	vst v9;
	v13 =	vld [tilespmem:$0x1FEF0]  }
0x15e: {  	v3 =	vld.idx.msk [tilespmem:v7+s2+$0x0], $0xffff  }
0x15f: {  	v6 =	vor.u32 $0x6, v2;
	v7 =	vld [tilespmem:$0x1FF00];
	[tilespmem:s13+$0x1340] =	vst v11  }
0x160: {  	v9 =	vmov v58;
	v58 =	vld.idx.msk [tilespmem:v8+s2+$0x0], $0xffff  }
0x161: {  	p0 =	slt.u32 s18, $0xC2;
	v8 =	vld [tilespmem:$0x1FF60]  }
.Ltmp0:
0x162: {  	[tilespmem:s16+$0x460] =	vst v10;
	v10 =	vld [tilespmem:$0x1FF40];
	(pc) =	sbr.rel @p0 .LBB2_2-.Ltmp0, $4  }
0x163: {  	v20 =	vmov v46;
	v30 =	vld [tilespmem:$0x1FF10]  }
0x164: {  	v46 =	vmovc v22;
	v22 =	vmovc v37;
	v37 =	vmov v42;
	v12 =	vmov v25;
	v25 =	vmov v60;
	v60 =	vld.idx.msk [tilespmem:v6+s2+$0x0], $0xffff  }
0x165: {  	v17 =	vmovc v29;
	v29 =	vmovc v41;
	v43 =	vmov v19;
	v19 =	vmov v38;
	[tilespmem:$0x1FFC0] =	vst v18;
	v11 =	vmov v57;
	v57 =	vld.idx.msk [tilespmem:v26+s2+$0x0], $0xffff  }
0x166: {  	v18 =	vmovc v45;
	v62 =	vor.u32 $0x10, v1;
	v33 =	vmovc v35;
	v59 =	vor.u32 $0x19, v0;
	[tilespmem:s12+$0x1500] =	vst v5;
	v26 =	vld [tilespmem:$0x1FF20];
	v35 =	vmov v8  }
0x167: {  	_ =	sdelay $0x2  }
0x168: {  	[tilespmem:s17+$0x460] =	vst v4  }
0x169: {  	v5 =	vor.u32 $0x7, v2;
	v4 =	vld.idx.msk [tilespmem:v56+s2+$0x0], $0xffff;
	_ =	sdelay $0x3  }
0x16a: {  	[tilespmem:s16+$0x540] =	vst v60  }
0x16b: {  	v5 =	vld.idx.msk [tilespmem:v5+s2+$0x0], $0xffff;
	[tilespmem:s17+$0x540] =	vst v4  }
0x16c: {  	v6 =	vor.u32 $0x8, v2;
	v4 =	vld.idx.msk [tilespmem:v54+s2+$0x0], $0xffff;
	_ =	sdelay $0x3  }
0x16d: {  	[tilespmem:s16+$0x620] =	vst v5  }
0x16e: {  	v5 =	vld.idx.msk [tilespmem:v6+s2+$0x0], $0xffff;
	[tilespmem:s17+$0x620] =	vst v4  }
0x16f: {  	v23 =	vor.u32 $0x9, v2;
	v38 =	vld.idx.msk [tilespmem:v52+s2+$0x0], $0xffff;
	_ =	sdelay $0x3  }
0x170: {  	[tilespmem:s16+$0x700] =	vst v5  }
0x171: {  	v4 =	vld.idx.msk [tilespmem:v23+s2+$0x0], $0xffff;
	[tilespmem:s17+$0x700] =	vst v38  }
0x172: {  	v41 =	vor.u32 $0xA, v2;
	v6 =	vld.idx.msk [tilespmem:v49+s2+$0x0], $0xffff;
	_ =	sdelay $0x3  }
0x173: {  	[tilespmem:s16+$0x7E0] =	vst v4  }
0x174: {  	v4 =	vld.idx.msk [tilespmem:v41+s2+$0x0], $0xffff;
	[tilespmem:s17+$0x7E0] =	vst v6  }
0x175: {  	v42 =	vor.u32 $0xB, v2;
	v6 =	vld.idx.msk [tilespmem:v48+s2+$0x0], $0xffff;
	_ =	sdelay $0x3  }
0x176: {  	[tilespmem:s16+$0x8C0] =	vst v4  }
0x177: {  	v4 =	vld.idx.msk [tilespmem:v42+s2+$0x0], $0xffff;
	[tilespmem:s17+$0x8C0] =	vst v6  }
0x178: {  	v6 =	vld.idx.msk [tilespmem:v47+s2+$0x0], $0xffff;
	_ =	sdelay $0x3  }
0x179: {  	[tilespmem:s16+$0x9A0] =	vst v4  }
0x17a: {  	[tilespmem:s17+$0x9A0] =	vst v6  }
0x17b: {  	v6 =	vld [tilespmem:$0x1FFC0];
	_ =	sdelay $0x1  }
0x17c: {  	v45 =	vor.u32 $0xC, v2;
	_ =	sdelay $0x4  }
0x17d: {  	v4 =	vld.idx.msk [tilespmem:v45+s2+$0x0], $0xffff  }
0x17e: {  	v6 =	vld.idx.msk [tilespmem:v6+s2+$0x0], $0xffff;
	_ =	sdelay $0x1  }
0x17f: {  	v48 =	vor.u32 $0xD, v2;
	_ =	sdelay $0x1  }
0x180: {  	[tilespmem:s16+$0xA80] =	vst v4  }
0x181: {  	[tilespmem:s17+$0xA80] =	vst v6  }
0x182: {  	v6 =	vld [tilespmem:$0x1FFD0]  }
0x183: {  	v4 =	vld.idx.msk [tilespmem:v48+s2+$0x0], $0xffff  }
0x184: {  	v49 =	vor.u32 $0xE, v2;
	_ =	sdelay $0x3  }
0x185: {  	[tilespmem:s16+$0xB60] =	vst v4  }
0x186: {  	v4 =	vld.idx.msk [tilespmem:v49+s2+$0x0], $0xffff  }
0x187: {  	v52 =	vor.u32 $0xF, v2;
	v6 =	vld.idx.msk [tilespmem:v6+s2+$0x0], $0xffff;
	_ =	sdelay $0x2  }
0x188: {  	[tilespmem:s15+$0xC40] =	vst v61  }
0x189: {  	v54 =	vld.idx.msk [tilespmem:v7+s2+$0x0], $0xffff;
	[tilespmem:s16+$0xC40] =	vst v4  }
0x18a: {  	v5 =	vld.idx.msk [tilespmem:v52+s2+$0x0], $0xffff;
	[tilespmem:s17+$0xB60] =	vst v6  }
0x18b: {  	v6 =	vld.idx.msk [tilespmem:v9+s2+$0x0], $0xffff;
	_ =	sdelay $0x1  }
0x18c: {  	[tilespmem:s14+$0xD20] =	vst v3  }
0x18d: {  	[tilespmem:s15+$0xD20] =	vst v54  }
0x18e: {  	[tilespmem:s16+$0xD20] =	vst v5  }
0x18f: {  	[tilespmem:s17+$0xC40] =	vst v6  }
0x190: {  	v5 =	vld [tilespmem:$0x1FF70]  }
0x191: {  	v56 =	vor.u32 $0x10, v2;
	_ =	sdelay $0x3  }
0x192: {  	v3 =	vld.idx.msk [tilespmem:v62+s2+$0x0], $0xffff  }
0x193: {  	v61 =	vor.u32 $0x11, v1;
	v6 =	vld.idx.msk [tilespmem:v56+s2+$0x0], $0xffff  }
0x194: {  	v62 =	vor.u32 $0x11, v2;
	v60 =	vld.idx.msk [tilespmem:v55+s2+$0x0], $0xffff  }
0x195: {  	v5 =	vld.idx.msk [tilespmem:v5+s2+$0x0], $0xffff;
	_ =	sdelay $0x1  }
0x196: {  	[tilespmem:s14+$0xE00] =	vst v3  }
0x197: {  	v3 =	vld.idx.msk [tilespmem:v61+s2+$0x0], $0xffff;
	[tilespmem:s16+$0xE00] =	vst v6  }
0x198: {  	[tilespmem:s17+$0xD20] =	vst v60;
	v6 =	vld.idx.msk [tilespmem:v62+s2+$0x0], $0xffff  }
0x199: {  	v8 =	vld.idx.msk [tilespmem:v53+s2+$0x0], $0xffff;
	[tilespmem:s15+$0xE00] =	vst v5  }
0x19a: {  	v5 =	vld.idx.msk [tilespmem:v63+s2+$0x0], $0xffff;
	_ =	sdelay $0x1  }
0x19b: {  	[tilespmem:s14+$0xEE0] =	vst v3  }
0x19c: {  	[tilespmem:s16+$0xEE0] =	vst v6  }
0x19d: {  	[tilespmem:s17+$0xE00] =	vst v8  }
0x19e: {  	[tilespmem:s15+$0xEE0] =	vst v5  }
0x19f: {  	v5 =	vld [tilespmem:$0x1FF80]  }
0x1a0: {  	v23 =	vor.u32 $0x12, v1  }
0x1a1: {  	v38 =	vor.u32 $0x12, v2;
	_ =	sdelay $0x2  }
0x1a2: {  	v8 =	vld.idx.msk [tilespmem:v50+s2+$0x0], $0xffff  }
0x1a3: {  	v3 =	vld.idx.msk [tilespmem:v23+s2+$0x0], $0xffff  }
0x1a4: {  	v6 =	vld.idx.msk [tilespmem:v38+s2+$0x0], $0xffff  }
0x1a5: {  	v5 =	vld.idx.msk [tilespmem:v5+s2+$0x0], $0xffff;
	_ =	sdelay $0x1  }
0x1a6: {  	[tilespmem:s17+$0xEE0] =	vst v8  }
0x1a7: {  	[tilespmem:s14+$0xFC0] =	vst v3  }
0x1a8: {  	[tilespmem:s16+$0xFC0] =	vst v6  }
0x1a9: {  	v8 =	vld.idx.msk [tilespmem:v44+s2+$0x0], $0xffff;
	[tilespmem:s15+$0xFC0] =	vst v5  }
0x1aa: {  	v5 =	vld [tilespmem:$0x1FF90]  }
0x1ab: {  	v41 =	vor.u32 $0x13, v1  }
0x1ac: {  	v42 =	vor.u32 $0x13, v2;
	_ =	sdelay $0x1  }
0x1ad: {  	[tilespmem:s17+$0xFC0] =	vst v8  }
0x1ae: {  	v8 =	vld [tilespmem:$0x1FFE0]  }
0x1af: {  	v3 =	vld.idx.msk [tilespmem:v41+s2+$0x0], $0xffff  }
0x1b0: {  	v6 =	vld.idx.msk [tilespmem:v42+s2+$0x0], $0xffff  }
0x1b1: {  	v5 =	vld.idx.msk [tilespmem:v5+s2+$0x0], $0xffff;
	_ =	sdelay $0x2  }
0x1b2: {  	[tilespmem:s14+$0x10A0] =	vst v3  }
0x1b3: {  	[tilespmem:s16+$0x10A0] =	vst v6  }
0x1b4: {  	v8 =	vld.idx.msk [tilespmem:v8+s2+$0x0], $0xffff;
	[tilespmem:s15+$0x10A0] =	vst v5  }
0x1b5: {  	v5 =	vld [tilespmem:$0x1FFA0]  }
0x1b6: {  	v44 =	vor.u32 $0x14, v1  }
0x1b7: {  	v45 =	vor.u32 $0x14, v2;
	_ =	sdelay $0x1  }
0x1b8: {  	[tilespmem:s17+$0x10A0] =	vst v8  }
0x1b9: {  	v8 =	vld [tilespmem:$0x1FFF0]  }
0x1ba: {  	v3 =	vld.idx.msk [tilespmem:v44+s2+$0x0], $0xffff  }
0x1bb: {  	v6 =	vld.idx.msk [tilespmem:v45+s2+$0x0], $0xffff  }
0x1bc: {  	v5 =	vld.idx.msk [tilespmem:v5+s2+$0x0], $0xffff;
	_ =	sdelay $0x2  }
0x1bd: {  	[tilespmem:s14+$0x1180] =	vst v3  }
0x1be: {  	[tilespmem:s16+$0x1180] =	vst v6  }
0x1bf: {  	v8 =	vld.idx.msk [tilespmem:v8+s2+$0x0], $0xffff;
	[tilespmem:s15+$0x1180] =	vst v5  }
0x1c0: {  	v47 =	vor.u32 $0x15, v1;
	v5 =	vld [tilespmem:$0x1FFB0];
	_ =	sdelay $0x1  }
0x1c1: {  	v48 =	vor.u32 $0x15, v2;
	_ =	sdelay $0x2  }
0x1c2: {  	v3 =	vld.idx.msk [tilespmem:v47+s2+$0x0], $0xffff;
	[tilespmem:s17+$0x1180] =	vst v8  }
0x1c3: {  	v49 =	vor.u32 $0x16, v1;
	v8 =	vld.idx.msk [tilespmem:v43+s2+$0x0], $0xffff  }
0x1c4: {  	v6 =	vld.idx.msk [tilespmem:v48+s2+$0x0], $0xffff  }
0x1c5: {  	v50 =	vor.u32 $0x16, v2;
	v5 =	vld.idx.msk [tilespmem:v5+s2+$0x0], $0xffff;
	_ =	sdelay $0x1  }
0x1c6: {  	[tilespmem:s14+$0x1260] =	vst v3  }
0x1c7: {  	v3 =	vld.idx.msk [tilespmem:v49+s2+$0x0], $0xffff;
	[tilespmem:s17+$0x1260] =	vst v8  }
0x1c8: {  	v52 =	vor.u32 $0x17, v1;
	[tilespmem:s16+$0x1260] =	vst v6;
	v8 =	vld.idx.msk [tilespmem:v36+s2+$0x0], $0xffff  }
0x1c9: {  	v6 =	vld.idx.msk [tilespmem:v50+s2+$0x0], $0xffff;
	[tilespmem:s15+$0x1260] =	vst v5  }
0x1ca: {  	v53 =	vor.u32 $0x17, v2;
	[tilespmem:s11+$0x1880] =	vst v57;
	v5 =	vld.idx.msk [tilespmem:v37+s2+$0x0], $0xffff  }
0x1cb: {  	v54 =	vld.idx.msk [tilespmem:v59+s2+$0x0], $0xffff;
	[tilespmem:s13+$0x1420] =	vst v58  }
0x1cc: {  	v55 =	vld.idx.msk [tilespmem:v10+s2+$0x0], $0xffff;
	[tilespmem:s14+$0x1340] =	vst v3  }
0x1cd: {  	v56 =	vor.u32 $0x1A, v0;
	v4 =	vld.idx.msk [tilespmem:v52+s2+$0x0], $0xffff;
	[tilespmem:s17+$0x1340] =	vst v8  }
0x1ce: {  	v57 =	vor.u32 $0x18, v1;
	[tilespmem:s16+$0x1340] =	vst v6;
	v60 =	vld.idx.msk [tilespmem:v25+s2+$0x0], $0xffff  }
0x1cf: {  	v7 =	vld.idx.msk [tilespmem:v53+s2+$0x0], $0xffff;
	[tilespmem:s15+$0x1340] =	vst v5  }
0x1d0: {  	v59 =	vor.u32 $0x18, v2;
	[tilespmem:s12+$0x15E0] =	vst v54;
	v58 =	vld.idx.msk [tilespmem:v35+s2+$0x0], $0xffff  }
0x1d1: {  	v61 =	vld.idx.msk [tilespmem:v31+s2+$0x0], $0xffff;
	[tilespmem:s11+$0x1960] =	vst v55  }
0x1d2: {  	v62 =	vld.idx.msk [tilespmem:v56+s2+$0x0], $0xffff;
	[tilespmem:s14+$0x1420] =	vst v4  }
0x1d3: {  	v63 =	vld.idx.msk [tilespmem:v57+s2+$0x0], $0xffff;
	[tilespmem:s17+$0x1420] =	vst v60  }
0x1d4: {  	v23 =	vor.u32 $0x19, v1;
	[tilespmem:s16+$0x1420] =	vst v7;
	v9 =	vld.idx.msk [tilespmem:v51+s2+$0x0], $0xffff  }
0x1d5: {  	v8 =	vld.idx.msk [tilespmem:v59+s2+$0x0], $0xffff;
	[tilespmem:s15+$0x1420] =	vst v58  }
0x1d6: {  	[tilespmem:s13+$0x1500] =	vst v61;
	v25 =	vld.idx.msk [tilespmem:v26+s2+$0x0], $0xffff;
	v26 =	vor.u32 $0x19, v2  }
0x1d7: {  	[tilespmem:s12+$0x16C0] =	vst v62;
	v36 =	vld.idx.msk [tilespmem:v33+s2+$0x0], $0xffff  }
0x1d8: {  	v31 =	vld.idx.msk [tilespmem:v30+s2+$0x0], $0xffff;
	[tilespmem:s14+$0x1500] =	vst v63  }
0x1d9: {  	v6 =	vld.idx.msk [tilespmem:v23+s2+$0x0], $0xffff;
	v35 =	vor.u32 $0x1B, v0;
	[tilespmem:s17+$0x1500] =	vst v9  }
0x1da: {  	v37 =	vor.u32 $0x1A, v1;
	[tilespmem:s16+$0x1500] =	vst v8;
	v9 =	vld.idx.msk [tilespmem:v40+s2+$0x0], $0xffff  }
0x1db: {  	[tilespmem:s15+$0x1500] =	vst v25;
	v3 =	vld.idx.msk [tilespmem:v26+s2+$0x0], $0xffff  }
0x1dc: {  	v41 =	vor.u32 $0x1A, v2;
	[tilespmem:s13+$0x15E0] =	vst v36;
	v38 =	vld.idx.msk [tilespmem:v22+s2+$0x0], $0xffff  }
0x1dd: {  	[tilespmem:s11+$0x1A40] =	vst v31;
	v10 =	vld.idx.msk [tilespmem:v29+s2+$0x0], $0xffff  }
0x1de: {  	[tilespmem:s14+$0x15E0] =	vst v6;
	v5 =	vld.idx.msk [tilespmem:v35+s2+$0x0], $0xffff  }
0x1df: {  	v42 =	vor.u32 $0x1C, v0;
	v7 =	vld.idx.msk [tilespmem:v37+s2+$0x0], $0xffff;
	[tilespmem:s17+$0x15E0] =	vst v9  }
0x1e0: {  	v43 =	vor.u32 $0x1B, v1;
	v9 =	vld.idx.msk [tilespmem:v32+s2+$0x0], $0xffff;
	[tilespmem:s16+$0x15E0] =	vst v3  }
0x1e1: {  	[tilespmem:s15+$0x15E0] =	vst v38;
	v4 =	vld.idx.msk [tilespmem:v41+s2+$0x0], $0xffff  }
0x1e2: {  	v44 =	vor.u32 $0x1B, v2;
	[tilespmem:s13+$0x16C0] =	vst v10;
	v8 =	vld.idx.msk [tilespmem:v24+s2+$0x0], $0xffff  }
0x1e3: {  	v45 =	vld.idx.msk [tilespmem:v28+s2+$0x0], $0xffff;
	[tilespmem:s12+$0x17A0] =	vst v5  }
0x1e4: {  	[tilespmem:s14+$0x16C0] =	vst v7;
	v6 =	vld.idx.msk [tilespmem:v42+s2+$0x0], $0xffff  }
0x1e5: {  	v3 =	vld.idx.msk [tilespmem:v43+s2+$0x0], $0xffff;
	[tilespmem:s17+$0x16C0] =	vst v9  }
0x1e6: {  	v47 =	vor.u32 $0x1C, v1;
	v9 =	vld.idx.msk [tilespmem:v46+s2+$0x0], $0xffff;
	[tilespmem:s16+$0x16C0] =	vst v4  }
0x1e7: {  	[tilespmem:s15+$0x16C0] =	vst v8;
	v5 =	vld.idx.msk [tilespmem:v44+s2+$0x0], $0xffff  }
0x1e8: {  	v48 =	vor.u32 $0x1C, v2;
	[tilespmem:s13+$0x17A0] =	vst v45;
	v8 =	vld.idx.msk [tilespmem:v20+s2+$0x0], $0xffff  }
0x1e9: {  	v49 =	vld.idx.msk [tilespmem:v17+s2+$0x0], $0xffff;
	[tilespmem:s12+$0x1880] =	vst v6  }
0x1ea: {  	v50 =	vor.u32 $0x1D, v0;
	v10 =	vld.idx.msk [tilespmem:v18+s2+$0x0], $0xffff;
	[tilespmem:s14+$0x17A0] =	vst v3  }
0x1eb: {  	v4 =	vld.idx.msk [tilespmem:v47+s2+$0x0], $0xffff;
	[tilespmem:s17+$0x17A0] =	vst v9  }
0x1ec: {  	v51 =	vor.u32 $0x1D, v1;
	v9 =	vld.idx.msk [tilespmem:v21+s2+$0x0], $0xffff;
	[tilespmem:s16+$0x17A0] =	vst v5  }
0x1ed: {  	[tilespmem:s15+$0x17A0] =	vst v8;
	v6 =	vld.idx.msk [tilespmem:v48+s2+$0x0], $0xffff  }
0x1ee: {  	v52 =	vor.u32 $0x1D, v2;
	[tilespmem:s11+$0x1B20] =	vst v49;
	v8 =	vld.idx.msk [tilespmem:v19+s2+$0x0], $0xffff  }
0x1ef: {  	[tilespmem:s13+$0x1880] =	vst v10;
	v3 =	vld.idx.msk [tilespmem:v50+s2+$0x0], $0xffff  }
0x1f0: {  	v53 =	vor.u32 $0x1E, v0;
	v10 =	vld.idx.msk [tilespmem:v15+s2+$0x0], $0xffff;
	[tilespmem:s14+$0x1880] =	vst v4  }
0x1f1: {  	v5 =	vld.idx.msk [tilespmem:v51+s2+$0x0], $0xffff;
	[tilespmem:s17+$0x1880] =	vst v9  }
0x1f2: {  	v54 =	vor.u32 $0x1E, v1;
	v9 =	vld.idx.msk [tilespmem:v39+s2+$0x0], $0xffff;
	[tilespmem:s16+$0x1880] =	vst v6  }
0x1f3: {  	[tilespmem:s15+$0x1880] =	vst v8;
	v7 =	vld.idx.msk [tilespmem:v52+s2+$0x0], $0xffff  }
0x1f4: {  	v55 =	vor.u32 $0x1E, v2;
	[tilespmem:s12+$0x1960] =	vst v3;
	v8 =	vld.idx.msk [tilespmem:v16+s2+$0x0], $0xffff  }
0x1f5: {  	[tilespmem:s13+$0x1960] =	vst v10;
	v4 =	vld.idx.msk [tilespmem:v53+s2+$0x0], $0xffff  }
0x1f6: {  	v56 =	vor.u32 $0x1F, v0;
	v57 =	vld.idx.msk [tilespmem:v13+s2+$0x0], $0xffff;
	[tilespmem:s14+$0x1960] =	vst v5  }
0x1f7: {  	v6 =	vld.idx.msk [tilespmem:v54+s2+$0x0], $0xffff;
	[tilespmem:s17+$0x1960] =	vst v9  }
0x1f8: {  	v58 =	vor.u32 $0x1F, v1;
	v61 =	vld.idx.msk [tilespmem:v34+s2+$0x0], $0xffff;
	[tilespmem:s16+$0x1960] =	vst v7  }
0x1f9: {  	[tilespmem:s15+$0x1960] =	vst v8;
	v3 =	vld.idx.msk [tilespmem:v55+s2+$0x0], $0xffff  }
0x1fa: {  	v60 =	vor.u32 $0x1F, v2;
	[tilespmem:s12+$0x1A40] =	vst v4;
	v59 =	vld.idx.msk [tilespmem:v14+s2+$0x0], $0xffff  }
0x1fb: {  	[tilespmem:s13+$0x1A40] =	vst v57;
	v0 =	vld.idx.msk [tilespmem:v56+s2+$0x0], $0xffff  }
0x1fc: {  	v5 =	vld.idx.msk [tilespmem:v12+s2+$0x0], $0xffff;
	[tilespmem:s14+$0x1A40] =	vst v6  }
0x1fd: {  	v1 =	vld.idx.msk [tilespmem:v58+s2+$0x0], $0xffff;
	[tilespmem:s17+$0x1A40] =	vst v61  }
0x1fe: {  	v63 =	vld.idx.msk [tilespmem:v27+s2+$0x0], $0xffff;
	[tilespmem:s16+$0x1A40] =	vst v3  }
0x1ff: {  	[tilespmem:s15+$0x1A40] =	vst v59;
	v2 =	vld.idx.msk [tilespmem:v60+s2+$0x0], $0xffff  }
0x200: {  	[tilespmem:s12+$0x1B20] =	vst v0;
	v62 =	vld.idx.msk [tilespmem:v11+s2+$0x0], $0xffff  }
0x201: {  	[tilespmem:s13+$0x1B20] =	vst v5  }
0x202: {  	[tilespmem:s14+$0x1B20] =	vst v1  }
0x203: {  	s10 =	sadd.s32 $0x1, s10;
	[tilespmem:s17+$0x1B20] =	vst v63  }
0x204: {  	p0 =	sne.s32 s10, s6;
	[tilespmem:s16+$0x1B20] =	vst v2  }
.Ltmp1:
0x205: {  	[tilespmem:s15+$0x1B20] =	vst v62;
	(pc) =	sbr.rel @p0 .LBB2_1-.Ltmp1, $4  }
0x206: {  	[hbm4b:s5+s2] =	stream.linear.scatter [tilespmem:s9], [sflag:$0x1], $0x18800, $0x38;
	[tilespmem:$0x1D440] =	vst v63  }
0x207: {  	_ =	swait.ge [sflag:s7], $0x18800  }
0x208: {  	[sflag:s7] =	ssyncset.done $0x0  }
0x209: {  	[sflag:s7] =	ssyncadd.s32 $0xFFFE7800  }
0x20a: {  	_ =	sfence.sel $0x180000  }
0x20b: {  	[bflag:$0x0] =	sbarrier.arrive $0xFFFF  }
0x20c: {  	p0 =	sne.s32 s0, $0x0;
	_ =	strace $0x90000047  }
0x20d: {  	s0 =	sadd.s32 @!p0 $0x100000, s1;
	[bflag:$0x2] =	sbarrier.arrive $0xFFFF  }
0x20e: {  	[sflag:s0] =	ssyncadd.tile.s32 @!p0 $0x1;
	_ =	shalt  }
.Lfunc_end2:
_tile_overlayer_lowered:
.L_overlay_start_2:
0x20f: {  	(tag) =	ssettag $0x2  }
0x210: {  	s0 =	rddreg [dreg:$0x0];
	s2 =	stileid.u32  }
0x211: {  	s1 =	rddreg [dreg:$0x1];
	p0 =	sne.s32 s2, $0x0  }
0x212: {  	s3 =	rddreg [dreg:$0x2];
	[bflag:$0x3] =	sbarrier.arrive $0xFFFF;
	s2 =	simm.s32 @!p0 $0x1C01  }
0x213: {  	[timem:s3], [sflag:s2] =	dma.local @!p0 [hbm:s0], s1  }
0x214: {  	s0 =	simm.s32 @!p0 $0x1  }
0x215: {  	_ =	swait.ge @!p0 [sflag:s0], s1  }
0x216: {  	s1 =	ssub.s32 @!p0 $0x0, s1;
	[sflag:s0] =	ssyncset.done @!p0 $0x0  }
0x217: {  	[sflag:s0] =	ssyncadd.s32 @!p0 s1  }
0x218: {  	[bflag:$0x3] =	sbarrier.arrive $0xFFFF  }
0x219: {  	_ =	shalt  }

</sc_bundles>
